<compile_context>
chip_gen: v7x
topology: tpu7x:2x2x1
jax: 0.10.2.dev20260603
libtpu: 0.0.44.dev20260713+nightly
codegen_flags: <defaults>
</compile_context>

<pallas_src>
import functools

import jax
import jax.numpy as jnp
from jax import lax
from jax.experimental import pallas as pl
from jax.experimental.pallas import tpu as pltpu
from jax.experimental.pallas import tpu_sc as plsc

N = 10000
E = 320000
NPAD = 10240
DEGW = 8
NC, NS = 2, 16
NW = NC * NS
CHUNK = 128
NBUF = 2
LAG = 1
K1 = 80
NCHUNK = E // CHUNK
TCHUNK = K1 * NW

_mesh = plsc.VectorSubcoreMesh(
    core_axis_name="c", subcore_axis_name="s", num_cores=NC, num_subcores=NS)
_sc_params = pltpu.CompilerParams(use_tc_tiling_on_sc=False)



def _deg_body(se_hbm, zeros_hbm, ones_hbm, out_hbm, idx_v, ones_v, acc_sh, sem):
    cid = lax.axis_index("c")
    sid = lax.axis_index("s")
    wid = cid * NS + sid
    pltpu.sync_copy(se_hbm.at[pl.ds(wid * K1, K1)], idx_v)
    pltpu.sync_copy(ones_hbm, ones_v)

    @pl.when(sid == 0)
    def _zero():
        pltpu.sync_copy(zeros_hbm, acc_sh)

    plsc.subcore_barrier()

    def body(j, carry):
        pltpu.async_copy(ones_v, acc_sh.at[idx_v.at[j, 1]], sem, add=True)
        return carry

    lax.fori_loop(0, K1, body, 0)

    def drain(j, carry):
        pltpu.make_async_copy(ones_v, acc_sh.at[idx_v.at[0, 1]], sem).wait()
        return carry

    lax.fori_loop(0, K1, drain, 0)
    plsc.subcore_barrier()

    @pl.when(sid == 0)
    def _flush():
        pltpu.sync_copy(acc_sh, out_hbm.at[cid])


_deg_kernel = functools.partial(
    pl.kernel,
    out_type=jax.ShapeDtypeStruct((NC, NPAD, DEGW), jnp.float32),
    mesh=_mesh,
    compiler_params=_sc_params,
    scratch_types=[
        pltpu.VMEM((K1, 2, CHUNK), jnp.int32),
        pltpu.VMEM((CHUNK, DEGW), jnp.float32),
        pltpu.VMEM_SHARED((NPAD, DEGW), jnp.float32),
        pltpu.SemaphoreType.DMA,
    ],
)(_deg_body)


def _make_scatter(D, dtype=jnp.float32):
    def body(se_hbm, y_hbm, zeros_hbm, out_hbm,
             se_v, rows_v, acc_sh, y_sh, *sems):
        gsems, ssems = sems[:NBUF], sems[NBUF:]
        cid = lax.axis_index("c")
        sid = lax.axis_index("s")
        wid = cid * NS + sid
        pltpu.sync_copy(se_hbm.at[pl.ds(wid * K1, K1)], se_v)

        @pl.when(jnp.logical_and(sid == 0, cid == 0))
        def _init0():
            pltpu.sync_copy(y_hbm, acc_sh)

        @pl.when(jnp.logical_and(sid == 0, cid == 1))
        def _init1():
            pltpu.sync_copy(zeros_hbm, acc_sh)

        @pl.when(sid == 1)
        def _stage():
            pltpu.sync_copy(y_hbm, y_sh)

        plsc.subcore_barrier()
        for g in range(LAG):
            pltpu.async_copy(y_sh.at[se_v.at[g, 0]], rows_v.at[g], gsems[g])

        def step(g, carry):
            for b in range(NBUF):
                j = g * NBUF + b
                pltpu.make_async_copy(
                    y_sh.at[se_v.at[j, 0]], rows_v.at[b], gsems[b]).wait()
                pltpu.async_copy(
                    rows_v.at[b], acc_sh.at[se_v.at[j, 1]], ssems[b], add=True)
                b2 = (b + LAG) % NBUF

                @pl.when(j + LAG < K1)
                def _refill():
                    @pl.when(j >= NBUF - LAG)
                    def _wait_prev_scatter():
                        pltpu.make_async_copy(
                            rows_v.at[b2], acc_sh.at[se_v.at[0, 1]],
                            ssems[b2]).wait()

                    pltpu.async_copy(
                        y_sh.at[se_v.at[j + LAG, 0]], rows_v.at[b2], gsems[b2])
            return carry

        lax.fori_loop(0, K1 // NBUF, step, 0)
        for b in range(NBUF):
            pltpu.make_async_copy(
                rows_v.at[b], acc_sh.at[se_v.at[0, 1]], ssems[b]).wait()
        plsc.subcore_barrier()

        @pl.when(sid == 0)
        def _flush():
            pltpu.sync_copy(acc_sh, out_hbm.at[cid])

    return functools.partial(
        pl.kernel,
        out_type=jax.ShapeDtypeStruct((NC, NPAD, D), dtype),
        mesh=_mesh,
        compiler_params=_sc_params,
        scratch_types=[
            pltpu.VMEM((K1, 2, CHUNK), jnp.int32),
            pltpu.VMEM((NBUF, CHUNK, D), dtype),
            pltpu.VMEM_SHARED((NPAD, D), dtype),
            pltpu.VMEM_SHARED((NPAD, D), dtype),
        ] + [pltpu.SemaphoreType.DMA] * (2 * NBUF),
    )(body)


_scatter64 = _make_scatter(64, jnp.bfloat16)
_scatter40 = _make_scatter(40)



def _dis(da_ref, db_ref):
    deg = da_ref[0, :, 0:1] + db_ref[0, :, 0:1] + 1.0
    return lax.rsqrt(deg)


_BLK = NPAD // 4
_BLK3 = N // 5


def _dp_specs():
    return [
        pl.BlockSpec((1, _BLK, DEGW), lambda g: (0, g, 0)),
        pl.BlockSpec((1, _BLK, DEGW), lambda g: (1, g, 0)),
    ]


def _tc1_body(x_ref, w_ref, da_ref, db_ref, y_ref):
    g = pl.program_id(0)
    dis = _dis(da_ref, db_ref)
    xw = jnp.dot(x_ref[...], w_ref[...], preferred_element_type=jnp.float32)
    rows = g * _BLK + lax.broadcasted_iota(jnp.int32, (_BLK, 1), 0)
    y_ref[...] = jnp.where(rows < N, xw * dis, 0.0).astype(jnp.bfloat16)


_tc1 = pl.pallas_call(
    _tc1_body,
    grid=(4,),
    in_specs=[
        pl.BlockSpec((_BLK, 128), lambda g: (g, 0)),
        pl.BlockSpec((128, 64), lambda g: (0, 0)),
    ] + _dp_specs(),
    out_specs=pl.BlockSpec((_BLK, 64), lambda g: (g, 0)),
    out_shape=jax.ShapeDtypeStruct((NPAD, 64), jnp.bfloat16),
)


def _tc2_body(z_ref, z_ref2, da_ref, db_ref, w_ref, b1_ref, y2_ref):
    g = pl.program_id(0)
    dis = _dis(da_ref, db_ref)
    z = z_ref[0].astype(jnp.float32) + z_ref2[0].astype(jnp.float32)
    pre = z * dis + b1_ref[...]
    h = jnp.maximum(pre, 0.0)
    rows = g * _BLK + lax.broadcasted_iota(jnp.int32, (_BLK, 1), 0)
    h = jnp.where(rows < N, h, 0.0)
    y2_ref[...] = jnp.dot(h, w_ref[...], preferred_element_type=jnp.float32) * dis


_tc2 = pl.pallas_call(
    _tc2_body,
    grid=(4,),
    in_specs=[
        pl.BlockSpec((1, _BLK, 64), lambda g: (0, g, 0)),
        pl.BlockSpec((1, _BLK, 64), lambda g: (1, g, 0)),
    ] + _dp_specs() + [
        pl.BlockSpec((64, 40), lambda g: (0, 0)),
        pl.BlockSpec((1, 64), lambda g: (0, 0)),
    ],
    out_specs=pl.BlockSpec((_BLK, 40), lambda g: (g, 0)),
    out_shape=jax.ShapeDtypeStruct((NPAD, 40), jnp.float32),
)


def _tc3_body(z_ref, z_ref2, da_ref, db_ref, b2_ref, out_ref):
    dis = _dis(da_ref, db_ref)
    o = (z_ref[0] + z_ref2[0]) * dis + b2_ref[...]
    m = jnp.max(o, axis=1, keepdims=True)
    s = jnp.sum(jnp.exp(o - m), axis=1, keepdims=True)
    out_ref[...] = o - m - jnp.log(s)


def _dp_specs3():
    return [
        pl.BlockSpec((1, _BLK3, DEGW), lambda g: (0, g, 0)),
        pl.BlockSpec((1, _BLK3, DEGW), lambda g: (1, g, 0)),
    ]


_tc3 = pl.pallas_call(
    _tc3_body,
    grid=(5,),
    in_specs=[
        pl.BlockSpec((1, _BLK3, 40), lambda g: (0, g, 0)),
        pl.BlockSpec((1, _BLK3, 40), lambda g: (1, g, 0)),
    ] + _dp_specs3() + [
        pl.BlockSpec((1, 40), lambda g: (0, 0)),
    ],
    out_specs=pl.BlockSpec((_BLK3, 40), lambda g: (g, 0)),
    out_shape=jax.ShapeDtypeStruct((N, 40), jnp.float32),
)



def kernel(x, edge_index, W1, b1, W2, b2):
    se0 = edge_index.astype(jnp.int32).reshape(2, NCHUNK, CHUNK).transpose(1, 0, 2)
    se_pad = jnp.full((TCHUNK - NCHUNK, 2, CHUNK), N, dtype=jnp.int32)
    se = jnp.concatenate([se0, se_pad], axis=0)

    b1_r = b1.reshape(1, 64)
    b2_r = b2.reshape(1, 40)
    zeros8 = jnp.zeros((NPAD, DEGW), jnp.float32)
    zeros64 = jnp.zeros((NPAD, 64), jnp.bfloat16)
    zeros40 = jnp.zeros((NPAD, 40), jnp.float32)
    ones8 = jnp.ones((CHUNK, DEGW), jnp.float32)

    dp = _deg_kernel(se, zeros8, ones8)
    y1 = _tc1(x, W1, dp, dp)
    z1 = _scatter64(se, y1, zeros64)
    y2 = _tc2(z1, z1, dp, dp, W2, b1_r)
    z2 = _scatter40(se, y2, zeros40)
    out = _tc3(z2, z2, dp, dp, b2_r)
    return out

# --- scband reference (transcript-rebuilt; emitter-appended) ---
"""Pipeline reference for scband-gcnnet-14688788152872 (READ-ONLY COPY).

The authoritative reference and input builder live on the scoring server;
editing this copy changes nothing except your own understanding.
"""

import jax, jax.numpy as jnp
import numpy as np

N_NODES = 10000
N_EDGES = 320000
D_FEAT = 128
D_HID = 64
N_CLASSES = 40


def gcn_conv(x, edge_index, W, b):
    N = x.shape[0]
    src = edge_index[0]
    dst = edge_index[1]
    # add self loops
    loop = jnp.arange(N, dtype=edge_index.dtype)
    src = jnp.concatenate([src, loop])
    dst = jnp.concatenate([dst, loop])
    # symmetric normalization: deg computed on dst (in-degree incl. self loops)
    deg = jnp.zeros((N,), dtype=x.dtype).at[dst].add(1.0)
    deg_inv_sqrt = jnp.where(deg > 0, jax.lax.rsqrt(deg), 0.0)
    norm = deg_inv_sqrt[src] * deg_inv_sqrt[dst]
    xw = x @ W
    msg = jnp.take(xw, src, axis=0) * norm[:, None]
    out = jax.ops.segment_sum(msg, dst, num_segments=N)
    return out + b


def setup_inputs(seed: int = 0) -> dict:
    key = jax.random.key(seed)
    k1, k2, k3, k4, k5, k6 = jax.random.split(key, 6)
    x = jax.random.normal(k1, (N_NODES, D_FEAT), dtype=jnp.float32)
    edge_index = jax.random.randint(k2, (2, N_EDGES), 0, N_NODES, dtype=jnp.int64)
    W1 = jax.random.normal(k3, (D_FEAT, D_HID), dtype=jnp.float32) * (1.0 / np.sqrt(D_FEAT))
    b1 = jnp.zeros((D_HID,), dtype=jnp.float32)
    W2 = jax.random.normal(k4, (D_HID, N_CLASSES), dtype=jnp.float32) * (1.0 / np.sqrt(D_HID))
    b2 = jnp.zeros((N_CLASSES,), dtype=jnp.float32)
    return {"x": x, "edge_index": edge_index, "W1": W1, "b1": b1, "W2": W2, "b2": b2}


def reference(x, edge_index, W1, b1, W2, b2):
    # GCNNet.forward: conv1 -> relu -> (dropout disabled: MC_DROPOUT=False, ACT_DROPOUT=False) -> conv2 -> log_softmax
    h = gcn_conv(x, edge_index, W1, b1)
    h = jax.nn.relu(h)
    h = gcn_conv(h, edge_index, W2, b2)
    return jax.nn.log_softmax(h, axis=1)

if __name__ == "__main__":
    import jax
    _d = setup_inputs()
    print(jax.jit(kernel)(*tuple(_d.values())))

</pallas_src>

<mosaic_0001>
#map = affine_map<(d0, d1) -> (0, 0, 0)>
#map1 = affine_map<(d0, d1) -> (0, 0)>
module attributes {stable_mosaic.version = 14 : i64} {
  func.func @body(%arg0: i32, %arg1: i32, %arg2: memref<2560x2x128xi32, #tpu.memory_space<hbm>>, %arg3: memref<10240x40xf32, #tpu.memory_space<hbm>>, %arg4: memref<10240x40xf32, #tpu.memory_space<hbm>>, %arg5: memref<2x10240x40xf32, #tpu.memory_space<hbm>>, %arg6: memref<80x2x128xi32, #tpu.memory_space<vmem>>, %arg7: memref<2x128x40xf32, #tpu.memory_space<vmem>>, %arg8: memref<10240x40xf32, #tpu.memory_space<vmem_shared>>, %arg9: memref<10240x40xf32, #tpu.memory_space<vmem_shared>>, %arg10: memref<!tpu.dma_semaphore, #tpu.memory_space<semaphore_mem>>, %arg11: memref<!tpu.dma_semaphore, #tpu.memory_space<semaphore_mem>>, %arg12: memref<!tpu.dma_semaphore, #tpu.memory_space<semaphore_mem>>, %arg13: memref<!tpu.dma_semaphore, #tpu.memory_space<semaphore_mem>>) attributes {dimension_semantics = [#tpu.dimension_semantics<core_parallel>, #tpu.dimension_semantics<subcore_parallel>], iteration_bounds = array<i64: 2, 16>, scalar_prefetch = 0 : i64, scratch_operands = 8 : i64, tpu.core_type = #tpu.core_type<sc_vector_subcore>, window_params = [{transform_indices = #map}, {transform_indices = #map1}, {transform_indices = #map1}, {transform_indices = #map}]} {
    %mul3A = arith.constant 16 : i32
    %mul3A_0 = arith.muli %arg0, %mul3A : i32
    %add3A = arith.addi %mul3A_0, %arg1 : i32
    %mul3A_1 = arith.constant 80 : i32
    %mul3A_2 = arith.muli %add3A, %mul3A_1 : i32
    "tpu.region"() ({
      %run_scoped3A = tpu.sem_alloc : memref<!tpu.dma_semaphore, #tpu.memory_space<semaphore_mem>>
      %dma_start3A_68 = arith.constant 0 : i32
      %dma_start3A_69 = arith.constant 0 : i32
      %dma_start3A_70 = tpu.memref_slice %arg2[%mul3A_2, %dma_start3A_68, %dma_start3A_69] : memref<2560x2x128xi32, #tpu.memory_space<hbm>> -> memref<80x2x128xi32, #tpu.memory_space<hbm>>
      %dma_start3A_71 = arith.constant 0 : i32
      %dma_start3A_72 = arith.constant 0 : i32
      %dma_start3A_73 = tpu.memref_slice %arg2[%mul3A_2, %dma_start3A_71, %dma_start3A_72] : memref<2560x2x128xi32, #tpu.memory_space<hbm>> -> memref<80x2x128xi32, #tpu.memory_space<hbm>>
      tpu.enqueue_dma source(%dma_start3A_73 : memref<80x2x128xi32, #tpu.memory_space<hbm>>) target(%arg6 : memref<80x2x128xi32, #tpu.memory_space<vmem>>) target_semaphore(%run_scoped3A : memref<!tpu.dma_semaphore, #tpu.memory_space<semaphore_mem>>)
      %dma_wait3A_74 = arith.constant 0 : i32
      %dma_wait3A_75 = arith.constant 0 : i32
      %dma_wait3A_76 = tpu.memref_slice %arg2[%mul3A_2, %dma_wait3A_74, %dma_wait3A_75] : memref<2560x2x128xi32, #tpu.memory_space<hbm>> -> memref<80x2x128xi32, #tpu.memory_space<hbm>>
      %dma_wait3A_77 = arith.constant 0 : i32
      %dma_wait3A_78 = arith.constant 0 : i32
      %dma_wait3A_79 = tpu.memref_slice %arg2[%mul3A_2, %dma_wait3A_77, %dma_wait3A_78] : memref<2560x2x128xi32, #tpu.memory_space<hbm>> -> memref<80x2x128xi32, #tpu.memory_space<hbm>>
      tpu.wait_dma2 semaphore(%run_scoped3A : memref<!tpu.dma_semaphore, #tpu.memory_space<semaphore_mem>>) src(%dma_wait3A_79 : memref<80x2x128xi32, #tpu.memory_space<hbm>>) dst(%arg6 : memref<80x2x128xi32, #tpu.memory_space<vmem>>)
      tpu.yield
    }) : () -> ()
    %eq3A = arith.constant 0 : i32
    %eq3A_3 = arith.cmpi eq, %arg1, %eq3A : i32
    %eq3A_4 = arith.constant 0 : i32
    %eq3A_5 = arith.cmpi eq, %arg0, %eq3A_4 : i32
    %and3A = arith.andi %eq3A_3, %eq3A_5 : i1
    %convert_element_type3A = arith.extui %and3A : i1 to i32
    %cond3A = arith.constant 0 : i32
    %cond3A_6 = arith.cmpi ne, %convert_element_type3A, %cond3A : i32
    scf.if %cond3A_6 {
      "tpu.region"() ({
        %run_scoped3A = tpu.sem_alloc : memref<!tpu.dma_semaphore, #tpu.memory_space<semaphore_mem>>
        tpu.enqueue_dma source(%arg3 : memref<10240x40xf32, #tpu.memory_space<hbm>>) target(%arg8 : memref<10240x40xf32, #tpu.memory_space<vmem_shared>>) target_semaphore(%run_scoped3A : memref<!tpu.dma_semaphore, #tpu.memory_space<semaphore_mem>>)
        tpu.wait_dma2 semaphore(%run_scoped3A : memref<!tpu.dma_semaphore, #tpu.memory_space<semaphore_mem>>) src(%arg3 : memref<10240x40xf32, #tpu.memory_space<hbm>>) dst(%arg8 : memref<10240x40xf32, #tpu.memory_space<vmem_shared>>)
        tpu.yield
      }) : () -> ()
    } else {
    }
    %eq3A_7 = arith.constant 0 : i32
    %eq3A_8 = arith.cmpi eq, %arg1, %eq3A_7 : i32
    %eq3A_9 = arith.constant 1 : i32
    %eq3A_10 = arith.cmpi eq, %arg0, %eq3A_9 : i32
    %and3A_11 = arith.andi %eq3A_8, %eq3A_10 : i1
    %convert_element_type3A_12 = arith.extui %and3A_11 : i1 to i32
    %cond3A_13 = arith.constant 0 : i32
    %cond3A_14 = arith.cmpi ne, %convert_element_type3A_12, %cond3A_13 : i32
    scf.if %cond3A_14 {
      "tpu.region"() ({
        %run_scoped3A = tpu.sem_alloc : memref<!tpu.dma_semaphore, #tpu.memory_space<semaphore_mem>>
        tpu.enqueue_dma source(%arg4 : memref<10240x40xf32, #tpu.memory_space<hbm>>) target(%arg8 : memref<10240x40xf32, #tpu.memory_space<vmem_shared>>) target_semaphore(%run_scoped3A : memref<!tpu.dma_semaphore, #tpu.memory_space<semaphore_mem>>)
        tpu.wait_dma2 semaphore(%run_scoped3A : memref<!tpu.dma_semaphore, #tpu.memory_space<semaphore_mem>>) src(%arg4 : memref<10240x40xf32, #tpu.memory_space<hbm>>) dst(%arg8 : memref<10240x40xf32, #tpu.memory_space<vmem_shared>>)
        tpu.yield
      }) : () -> ()
    } else {
    }
    %eq3A_15 = arith.constant 1 : i32
    %eq3A_16 = arith.cmpi eq, %arg1, %eq3A_15 : i32
    %convert_element_type3A_17 = arith.extui %eq3A_16 : i1 to i32
    %cond3A_18 = arith.constant 0 : i32
    %cond3A_19 = arith.cmpi ne, %convert_element_type3A_17, %cond3A_18 : i32
    scf.if %cond3A_19 {
      "tpu.region"() ({
        %run_scoped3A = tpu.sem_alloc : memref<!tpu.dma_semaphore, #tpu.memory_space<semaphore_mem>>
        tpu.enqueue_dma source(%arg3 : memref<10240x40xf32, #tpu.memory_space<hbm>>) target(%arg9 : memref<10240x40xf32, #tpu.memory_space<vmem_shared>>) target_semaphore(%run_scoped3A : memref<!tpu.dma_semaphore, #tpu.memory_space<semaphore_mem>>)
        tpu.wait_dma2 semaphore(%run_scoped3A : memref<!tpu.dma_semaphore, #tpu.memory_space<semaphore_mem>>) src(%arg3 : memref<10240x40xf32, #tpu.memory_space<hbm>>) dst(%arg9 : memref<10240x40xf32, #tpu.memory_space<vmem_shared>>)
        tpu.yield
      }) : () -> ()
    } else {
    }
    %barrier3A = arith.constant 0 : index
    tpu.barrier barrier_id(%barrier3A)
    %dma_start3A = arith.constant 0 : i32
    %dma_start3A_20 = arith.constant 0 : i32
    %dma_start3A_21 = arith.constant 0 : i32
    %dma_start3A_22 = arith.constant 0 : i32
    %dma_start3A_23 = arith.constant 0 : i32
    %dma_start3A_24 = tpu.memref_slice %arg7[%dma_start3A_21, %dma_start3A_22, %dma_start3A_23] : memref<2x128x40xf32, #tpu.memory_space<vmem>> -> memref<1x128x40xf32, #tpu.memory_space<vmem>>
    %dma_start3A_25 = tpu.memref_squeeze %dma_start3A_24 : memref<1x128x40xf32, #tpu.memory_space<vmem>> -> memref<128x40xf32, #tpu.memory_space<vmem>>
    %dma_start3A_26 = arith.constant 0 : i32
    %dma_start3A_27 = tpu.memref_slice %arg6[%dma_start3A, %dma_start3A_20, %dma_start3A_26] : memref<80x2x128xi32, #tpu.memory_space<vmem>> -> memref<1x1x128xi32, #tpu.memory_space<vmem>>
    %dma_start3A_28 = tpu.memref_squeeze %dma_start3A_27 : memref<1x1x128xi32, #tpu.memory_space<vmem>> -> memref<128xi32, #tpu.memory_space<vmem>>
    %dma_start3A_29 = arith.constant 0 : i32
    %dma_start3A_30 = arith.constant 0 : i32
    %dma_start3A_31 = tpu.memref_slice %arg9[%dma_start3A_29, %dma_start3A_30] : memref<10240x40xf32, #tpu.memory_space<vmem_shared>> -> memref<10240x40xf32, #tpu.memory_space<vmem_shared>>
    tpu.enqueue_indirect_dma source(%dma_start3A_31 : memref<10240x40xf32, #tpu.memory_space<vmem_shared>>) target(%dma_start3A_25 : memref<128x40xf32, #tpu.memory_space<vmem>>) offsets(%dma_start3A_28 : memref<128xi32, #tpu.memory_space<vmem>>) semaphore(%arg10 : memref<!tpu.dma_semaphore, #tpu.memory_space<semaphore_mem>>)
    %scan3A = arith.constant 0 : i32
    %scan3A_32 = arith.constant 0 : i32
    %scan3A_33 = arith.constant 40 : i32
    %scan3A_34 = arith.addi %scan3A_32, %scan3A_33 : i32
    %scan3A_35 = arith.constant 1 : i32
    scf.for %scan3A_68 = %scan3A_32 to %scan3A_34 step %scan3A_35  : i32 {
      %mul3A_69 = arith.constant 2 : i32
      %mul3A_70 = arith.muli %scan3A_68, %mul3A_69 : i32
      %add3A_71 = arith.constant 0 : i32
      %add3A_72 = arith.addi %mul3A_70, %add3A_71 : i32
      %dma_wait3A_73 = arith.constant 0 : i32
      %dma_wait3A_74 = arith.constant 0 : i32
      %dma_wait3A_75 = arith.constant 0 : i32
      %dma_wait3A_76 = arith.constant 0 : i32
      %dma_wait3A_77 = tpu.memref_slice %arg7[%dma_wait3A_74, %dma_wait3A_75, %dma_wait3A_76] : memref<2x128x40xf32, #tpu.memory_space<vmem>> -> memref<1x128x40xf32, #tpu.memory_space<vmem>>
      %dma_wait3A_78 = tpu.memref_squeeze %dma_wait3A_77 : memref<1x128x40xf32, #tpu.memory_space<vmem>> -> memref<128x40xf32, #tpu.memory_space<vmem>>
      %dma_wait3A_79 = arith.constant 0 : i32
      %dma_wait3A_80 = tpu.memref_slice %arg6[%add3A_72, %dma_wait3A_73, %dma_wait3A_79] : memref<80x2x128xi32, #tpu.memory_space<vmem>> -> memref<1x1x128xi32, #tpu.memory_space<vmem>>
      %dma_wait3A_81 = tpu.memref_squeeze %dma_wait3A_80 : memref<1x1x128xi32, #tpu.memory_space<vmem>> -> memref<128xi32, #tpu.memory_space<vmem>>
      %dma_wait3A_82 = arith.constant 0 : i32
      %dma_wait3A_83 = arith.constant 0 : i32
      %dma_wait3A_84 = tpu.memref_slice %arg9[%dma_wait3A_82, %dma_wait3A_83] : memref<10240x40xf32, #tpu.memory_space<vmem_shared>> -> memref<10240x40xf32, #tpu.memory_space<vmem_shared>>
      tpu.wait_indirect_dma semaphore(%arg10 : memref<!tpu.dma_semaphore, #tpu.memory_space<semaphore_mem>>) src(%dma_wait3A_84 : memref<10240x40xf32, #tpu.memory_space<vmem_shared>>) dst(%dma_wait3A_78 : memref<128x40xf32, #tpu.memory_space<vmem>>)
      %dma_start3A_85 = arith.constant 0 : i32
      %dma_start3A_86 = arith.constant 1 : i32
      %dma_start3A_87 = arith.constant 0 : i32
      %dma_start3A_88 = arith.constant 0 : i32
      %dma_start3A_89 = tpu.memref_slice %arg7[%dma_start3A_85, %dma_start3A_87, %dma_start3A_88] : memref<2x128x40xf32, #tpu.memory_space<vmem>> -> memref<1x128x40xf32, #tpu.memory_space<vmem>>
      %dma_start3A_90 = tpu.memref_squeeze %dma_start3A_89 : memref<1x128x40xf32, #tpu.memory_space<vmem>> -> memref<128x40xf32, #tpu.memory_space<vmem>>
      %dma_start3A_91 = arith.constant 0 : i32
      %dma_start3A_92 = tpu.memref_slice %arg6[%add3A_72, %dma_start3A_86, %dma_start3A_91] : memref<80x2x128xi32, #tpu.memory_space<vmem>> -> memref<1x1x128xi32, #tpu.memory_space<vmem>>
      %dma_start3A_93 = tpu.memref_squeeze %dma_start3A_92 : memref<1x1x128xi32, #tpu.memory_space<vmem>> -> memref<128xi32, #tpu.memory_space<vmem>>
      %dma_start3A_94 = arith.constant 0 : i32
      %dma_start3A_95 = arith.constant 0 : i32
      %dma_start3A_96 = tpu.memref_slice %arg8[%dma_start3A_94, %dma_start3A_95] : memref<10240x40xf32, #tpu.memory_space<vmem_shared>> -> memref<10240x40xf32, #tpu.memory_space<vmem_shared>>
      tpu.enqueue_indirect_dma source(%dma_start3A_90 : memref<128x40xf32, #tpu.memory_space<vmem>>) target(%dma_start3A_96 : memref<10240x40xf32, #tpu.memory_space<vmem_shared>>) offsets(%dma_start3A_93 : memref<128xi32, #tpu.memory_space<vmem>>) semaphore(%arg12 : memref<!tpu.dma_semaphore, #tpu.memory_space<semaphore_mem>>) {add = true}
      %add3A_97 = arith.constant 1 : i32
      %add3A_98 = arith.addi %add3A_72, %add3A_97 : i32
      %lt3A = arith.constant 80 : i32
      %lt3A_99 = arith.cmpi slt, %add3A_98, %lt3A : i32
      %convert_element_type3A_100 = arith.extui %lt3A_99 : i1 to i32
      %cond3A_101 = arith.constant 0 : i32
      %cond3A_102 = arith.cmpi ne, %convert_element_type3A_100, %cond3A_101 : i32
      scf.if %cond3A_102 {
        %ge3A = arith.constant 1 : i32
        %ge3A_138 = arith.cmpi sge, %add3A_72, %ge3A : i32
        %convert_element_type3A_139 = arith.extui %ge3A_138 : i1 to i32
        %cond3A_140 = arith.constant 0 : i32
        %cond3A_141 = arith.cmpi ne, %convert_element_type3A_139, %cond3A_140 : i32
        scf.if %cond3A_141 {
          %dma_wait3A_156 = arith.constant 1 : i32
          %dma_wait3A_157 = arith.constant 0 : i32
          %dma_wait3A_158 = arith.constant 1 : i32
          %dma_wait3A_159 = arith.constant 0 : i32
          %dma_wait3A_160 = arith.constant 0 : i32
          %dma_wait3A_161 = tpu.memref_slice %arg7[%dma_wait3A_156, %dma_wait3A_159, %dma_wait3A_160] : memref<2x128x40xf32, #tpu.memory_space<vmem>> -> memref<1x128x40xf32, #tpu.memory_space<vmem>>
          %dma_wait3A_162 = tpu.memref_squeeze %dma_wait3A_161 : memref<1x128x40xf32, #tpu.memory_space<vmem>> -> memref<128x40xf32, #tpu.memory_space<vmem>>
          %dma_wait3A_163 = arith.constant 0 : i32
          %dma_wait3A_164 = tpu.memref_slice %arg6[%dma_wait3A_157, %dma_wait3A_158, %dma_wait3A_163] : memref<80x2x128xi32, #tpu.memory_space<vmem>> -> memref<1x1x128xi32, #tpu.memory_space<vmem>>
          %dma_wait3A_165 = tpu.memref_squeeze %dma_wait3A_164 : memref<1x1x128xi32, #tpu.memory_space<vmem>> -> memref<128xi32, #tpu.memory_space<vmem>>
          %dma_wait3A_166 = arith.constant 0 : i32
          %dma_wait3A_167 = arith.constant 0 : i32
          %dma_wait3A_168 = tpu.memref_slice %arg8[%dma_wait3A_166, %dma_wait3A_167] : memref<10240x40xf32, #tpu.memory_space<vmem_shared>> -> memref<10240x40xf32, #tpu.memory_space<vmem_shared>>
          tpu.wait_indirect_dma semaphore(%arg13 : memref<!tpu.dma_semaphore, #tpu.memory_space<semaphore_mem>>) src(%dma_wait3A_162 : memref<128x40xf32, #tpu.memory_space<vmem>>) dst(%dma_wait3A_168 : memref<10240x40xf32, #tpu.memory_space<vmem_shared>>)
        } else {
        }
        %add3A_142 = arith.constant 1 : i32
        %add3A_143 = arith.addi %add3A_72, %add3A_142 : i32
        %dma_start3A_144 = arith.constant 0 : i32
        %dma_start3A_145 = arith.constant 1 : i32
        %dma_start3A_146 = arith.constant 0 : i32
        %dma_start3A_147 = arith.constant 0 : i32
        %dma_start3A_148 = tpu.memref_slice %arg7[%dma_start3A_145, %dma_start3A_146, %dma_start3A_147] : memref<2x128x40xf32, #tpu.memory_space<vmem>> -> memref<1x128x40xf32, #tpu.memory_space<vmem>>
        %dma_start3A_149 = tpu.memref_squeeze %dma_start3A_148 : memref<1x128x40xf32, #tpu.memory_space<vmem>> -> memref<128x40xf32, #tpu.memory_space<vmem>>
        %dma_start3A_150 = arith.constant 0 : i32
        %dma_start3A_151 = tpu.memref_slice %arg6[%add3A_143, %dma_start3A_144, %dma_start3A_150] : memref<80x2x128xi32, #tpu.memory_space<vmem>> -> memref<1x1x128xi32, #tpu.memory_space<vmem>>
        %dma_start3A_152 = tpu.memref_squeeze %dma_start3A_151 : memref<1x1x128xi32, #tpu.memory_space<vmem>> -> memref<128xi32, #tpu.memory_space<vmem>>
        %dma_start3A_153 = arith.constant 0 : i32
        %dma_start3A_154 = arith.constant 0 : i32
        %dma_start3A_155 = tpu.memref_slice %arg9[%dma_start3A_153, %dma_start3A_154] : memref<10240x40xf32, #tpu.memory_space<vmem_shared>> -> memref<10240x40xf32, #tpu.memory_space<vmem_shared>>
        tpu.enqueue_indirect_dma source(%dma_start3A_155 : memref<10240x40xf32, #tpu.memory_space<vmem_shared>>) target(%dma_start3A_149 : memref<128x40xf32, #tpu.memory_space<vmem>>) offsets(%dma_start3A_152 : memref<128xi32, #tpu.memory_space<vmem>>) semaphore(%arg11 : memref<!tpu.dma_semaphore, #tpu.memory_space<semaphore_mem>>)
      } else {
      }
      %mul3A_103 = arith.constant 2 : i32
      %mul3A_104 = arith.muli %scan3A_68, %mul3A_103 : i32
      %add3A_105 = arith.constant 1 : i32
      %add3A_106 = arith.addi %mul3A_104, %add3A_105 : i32
      %dma_wait3A_107 = arith.constant 0 : i32
      %dma_wait3A_108 = arith.constant 1 : i32
      %dma_wait3A_109 = arith.constant 0 : i32
      %dma_wait3A_110 = arith.constant 0 : i32
      %dma_wait3A_111 = tpu.memref_slice %arg7[%dma_wait3A_108, %dma_wait3A_109, %dma_wait3A_110] : memref<2x128x40xf32, #tpu.memory_space<vmem>> -> memref<1x128x40xf32, #tpu.memory_space<vmem>>
      %dma_wait3A_112 = tpu.memref_squeeze %dma_wait3A_111 : memref<1x128x40xf32, #tpu.memory_space<vmem>> -> memref<128x40xf32, #tpu.memory_space<vmem>>
      %dma_wait3A_113 = arith.constant 0 : i32
      %dma_wait3A_114 = tpu.memref_slice %arg6[%add3A_106, %dma_wait3A_107, %dma_wait3A_113] : memref<80x2x128xi32, #tpu.memory_space<vmem>> -> memref<1x1x128xi32, #tpu.memory_space<vmem>>
      %dma_wait3A_115 = tpu.memref_squeeze %dma_wait3A_114 : memref<1x1x128xi32, #tpu.memory_space<vmem>> -> memref<128xi32, #tpu.memory_space<vmem>>
      %dma_wait3A_116 = arith.constant 0 : i32
      %dma_wait3A_117 = arith.constant 0 : i32
      %dma_wait3A_118 = tpu.memref_slice %arg9[%dma_wait3A_116, %dma_wait3A_117] : memref<10240x40xf32, #tpu.memory_space<vmem_shared>> -> memref<10240x40xf32, #tpu.memory_space<vmem_shared>>
      tpu.wait_indirect_dma semaphore(%arg11 : memref<!tpu.dma_semaphore, #tpu.memory_space<semaphore_mem>>) src(%dma_wait3A_118 : memref<10240x40xf32, #tpu.memory_space<vmem_shared>>) dst(%dma_wait3A_112 : memref<128x40xf32, #tpu.memory_space<vmem>>)
      %dma_start3A_119 = arith.constant 1 : i32
      %dma_start3A_120 = arith.constant 1 : i32
      %dma_start3A_121 = arith.constant 0 : i32
      %dma_start3A_122 = arith.constant 0 : i32
      %dma_start3A_123 = tpu.memref_slice %arg7[%dma_start3A_119, %dma_start3A_121, %dma_start3A_122] : memref<2x128x40xf32, #tpu.memory_space<vmem>> -> memref<1x128x40xf32, #tpu.memory_space<vmem>>
      %dma_start3A_124 = tpu.memref_squeeze %dma_start3A_123 : memref<1x128x40xf32, #tpu.memory_space<vmem>> -> memref<128x40xf32, #tpu.memory_space<vmem>>
      %dma_start3A_125 = arith.constant 0 : i32
      %dma_start3A_126 = tpu.memref_slice %arg6[%add3A_106, %dma_start3A_120, %dma_start3A_125] : memref<80x2x128xi32, #tpu.memory_space<vmem>> -> memref<1x1x128xi32, #tpu.memory_space<vmem>>
      %dma_start3A_127 = tpu.memref_squeeze %dma_start3A_126 : memref<1x1x128xi32, #tpu.memory_space<vmem>> -> memref<128xi32, #tpu.memory_space<vmem>>
      %dma_start3A_128 = arith.constant 0 : i32
      %dma_start3A_129 = arith.constant 0 : i32
      %dma_start3A_130 = tpu.memref_slice %arg8[%dma_start3A_128, %dma_start3A_129] : memref<10240x40xf32, #tpu.memory_space<vmem_shared>> -> memref<10240x40xf32, #tpu.memory_space<vmem_shared>>
      tpu.enqueue_indirect_dma source(%dma_start3A_124 : memref<128x40xf32, #tpu.memory_space<vmem>>) target(%dma_start3A_130 : memref<10240x40xf32, #tpu.memory_space<vmem_shared>>) offsets(%dma_start3A_127 : memref<128xi32, #tpu.memory_space<vmem>>) semaphore(%arg13 : memref<!tpu.dma_semaphore, #tpu.memory_space<semaphore_mem>>) {add = true}
      %add3A_131 = arith.constant 1 : i32
      %add3A_132 = arith.addi %add3A_106, %add3A_131 : i32
      %lt3A_133 = arith.constant 80 : i32
      %lt3A_134 = arith.cmpi slt, %add3A_132, %lt3A_133 : i32
      %convert_element_type3A_135 = arith.extui %lt3A_134 : i1 to i32
      %cond3A_136 = arith.constant 0 : i32
      %cond3A_137 = arith.cmpi ne, %convert_element_type3A_135, %cond3A_136 : i32
      scf.if %cond3A_137 {
        %ge3A = arith.constant 1 : i32
        %ge3A_138 = arith.cmpi sge, %add3A_106, %ge3A : i32
        %convert_element_type3A_139 = arith.extui %ge3A_138 : i1 to i32
        %cond3A_140 = arith.constant 0 : i32
        %cond3A_141 = arith.cmpi ne, %convert_element_type3A_139, %cond3A_140 : i32
        scf.if %cond3A_141 {
          %dma_wait3A_156 = arith.constant 0 : i32
          %dma_wait3A_157 = arith.constant 0 : i32
          %dma_wait3A_158 = arith.constant 1 : i32
          %dma_wait3A_159 = arith.constant 0 : i32
          %dma_wait3A_160 = arith.constant 0 : i32
          %dma_wait3A_161 = tpu.memref_slice %arg7[%dma_wait3A_156, %dma_wait3A_159, %dma_wait3A_160] : memref<2x128x40xf32, #tpu.memory_space<vmem>> -> memref<1x128x40xf32, #tpu.memory_space<vmem>>
          %dma_wait3A_162 = tpu.memref_squeeze %dma_wait3A_161 : memref<1x128x40xf32, #tpu.memory_space<vmem>> -> memref<128x40xf32, #tpu.memory_space<vmem>>
          %dma_wait3A_163 = arith.constant 0 : i32
          %dma_wait3A_164 = tpu.memref_slice %arg6[%dma_wait3A_157, %dma_wait3A_158, %dma_wait3A_163] : memref<80x2x128xi32, #tpu.memory_space<vmem>> -> memref<1x1x128xi32, #tpu.memory_space<vmem>>
          %dma_wait3A_165 = tpu.memref_squeeze %dma_wait3A_164 : memref<1x1x128xi32, #tpu.memory_space<vmem>> -> memref<128xi32, #tpu.memory_space<vmem>>
          %dma_wait3A_166 = arith.constant 0 : i32
          %dma_wait3A_167 = arith.constant 0 : i32
          %dma_wait3A_168 = tpu.memref_slice %arg8[%dma_wait3A_166, %dma_wait3A_167] : memref<10240x40xf32, #tpu.memory_space<vmem_shared>> -> memref<10240x40xf32, #tpu.memory_space<vmem_shared>>
          tpu.wait_indirect_dma semaphore(%arg12 : memref<!tpu.dma_semaphore, #tpu.memory_space<semaphore_mem>>) src(%dma_wait3A_162 : memref<128x40xf32, #tpu.memory_space<vmem>>) dst(%dma_wait3A_168 : memref<10240x40xf32, #tpu.memory_space<vmem_shared>>)
        } else {
        }
        %add3A_142 = arith.constant 1 : i32
        %add3A_143 = arith.addi %add3A_106, %add3A_142 : i32
        %dma_start3A_144 = arith.constant 0 : i32
        %dma_start3A_145 = arith.constant 0 : i32
        %dma_start3A_146 = arith.constant 0 : i32
        %dma_start3A_147 = arith.constant 0 : i32
        %dma_start3A_148 = tpu.memref_slice %arg7[%dma_start3A_145, %dma_start3A_146, %dma_start3A_147] : memref<2x128x40xf32, #tpu.memory_space<vmem>> -> memref<1x128x40xf32, #tpu.memory_space<vmem>>
        %dma_start3A_149 = tpu.memref_squeeze %dma_start3A_148 : memref<1x128x40xf32, #tpu.memory_space<vmem>> -> memref<128x40xf32, #tpu.memory_space<vmem>>
        %dma_start3A_150 = arith.constant 0 : i32
        %dma_start3A_151 = tpu.memref_slice %arg6[%add3A_143, %dma_start3A_144, %dma_start3A_150] : memref<80x2x128xi32, #tpu.memory_space<vmem>> -> memref<1x1x128xi32, #tpu.memory_space<vmem>>
        %dma_start3A_152 = tpu.memref_squeeze %dma_start3A_151 : memref<1x1x128xi32, #tpu.memory_space<vmem>> -> memref<128xi32, #tpu.memory_space<vmem>>
        %dma_start3A_153 = arith.constant 0 : i32
        %dma_start3A_154 = arith.constant 0 : i32
        %dma_start3A_155 = tpu.memref_slice %arg9[%dma_start3A_153, %dma_start3A_154] : memref<10240x40xf32, #tpu.memory_space<vmem_shared>> -> memref<10240x40xf32, #tpu.memory_space<vmem_shared>>
        tpu.enqueue_indirect_dma source(%dma_start3A_155 : memref<10240x40xf32, #tpu.memory_space<vmem_shared>>) target(%dma_start3A_149 : memref<128x40xf32, #tpu.memory_space<vmem>>) offsets(%dma_start3A_152 : memref<128xi32, #tpu.memory_space<vmem>>) semaphore(%arg10 : memref<!tpu.dma_semaphore, #tpu.memory_space<semaphore_mem>>)
      } else {
      }
    }
    %scan3A_36 = arith.constant 40 : i32
    %dma_wait3A = arith.constant 0 : i32
    %dma_wait3A_37 = arith.constant 0 : i32
    %dma_wait3A_38 = arith.constant 1 : i32
    %dma_wait3A_39 = arith.constant 0 : i32
    %dma_wait3A_40 = arith.constant 0 : i32
    %dma_wait3A_41 = tpu.memref_slice %arg7[%dma_wait3A, %dma_wait3A_39, %dma_wait3A_40] : memref<2x128x40xf32, #tpu.memory_space<vmem>> -> memref<1x128x40xf32, #tpu.memory_space<vmem>>
    %dma_wait3A_42 = tpu.memref_squeeze %dma_wait3A_41 : memref<1x128x40xf32, #tpu.memory_space<vmem>> -> memref<128x40xf32, #tpu.memory_space<vmem>>
    %dma_wait3A_43 = arith.constant 0 : i32
    %dma_wait3A_44 = tpu.memref_slice %arg6[%dma_wait3A_37, %dma_wait3A_38, %dma_wait3A_43] : memref<80x2x128xi32, #tpu.memory_space<vmem>> -> memref<1x1x128xi32, #tpu.memory_space<vmem>>
    %dma_wait3A_45 = tpu.memref_squeeze %dma_wait3A_44 : memref<1x1x128xi32, #tpu.memory_space<vmem>> -> memref<128xi32, #tpu.memory_space<vmem>>
    %dma_wait3A_46 = arith.constant 0 : i32
    %dma_wait3A_47 = arith.constant 0 : i32
    %dma_wait3A_48 = tpu.memref_slice %arg8[%dma_wait3A_46, %dma_wait3A_47] : memref<10240x40xf32, #tpu.memory_space<vmem_shared>> -> memref<10240x40xf32, #tpu.memory_space<vmem_shared>>
    tpu.wait_indirect_dma semaphore(%arg12 : memref<!tpu.dma_semaphore, #tpu.memory_space<semaphore_mem>>) src(%dma_wait3A_42 : memref<128x40xf32, #tpu.memory_space<vmem>>) dst(%dma_wait3A_48 : memref<10240x40xf32, #tpu.memory_space<vmem_shared>>)
    %dma_wait3A_49 = arith.constant 1 : i32
    %dma_wait3A_50 = arith.constant 0 : i32
    %dma_wait3A_51 = arith.constant 1 : i32
    %dma_wait3A_52 = arith.constant 0 : i32
    %dma_wait3A_53 = arith.constant 0 : i32
    %dma_wait3A_54 = tpu.memref_slice %arg7[%dma_wait3A_49, %dma_wait3A_52, %dma_wait3A_53] : memref<2x128x40xf32, #tpu.memory_space<vmem>> -> memref<1x128x40xf32, #tpu.memory_space<vmem>>
    %dma_wait3A_55 = tpu.memref_squeeze %dma_wait3A_54 : memref<1x128x40xf32, #tpu.memory_space<vmem>> -> memref<128x40xf32, #tpu.memory_space<vmem>>
    %dma_wait3A_56 = arith.constant 0 : i32
    %dma_wait3A_57 = tpu.memref_slice %arg6[%dma_wait3A_50, %dma_wait3A_51, %dma_wait3A_56] : memref<80x2x128xi32, #tpu.memory_space<vmem>> -> memref<1x1x128xi32, #tpu.memory_space<vmem>>
    %dma_wait3A_58 = tpu.memref_squeeze %dma_wait3A_57 : memref<1x1x128xi32, #tpu.memory_space<vmem>> -> memref<128xi32, #tpu.memory_space<vmem>>
    %dma_wait3A_59 = arith.constant 0 : i32
    %dma_wait3A_60 = arith.constant 0 : i32
    %dma_wait3A_61 = tpu.memref_slice %arg8[%dma_wait3A_59, %dma_wait3A_60] : memref<10240x40xf32, #tpu.memory_space<vmem_shared>> -> memref<10240x40xf32, #tpu.memory_space<vmem_shared>>
    tpu.wait_indirect_dma semaphore(%arg13 : memref<!tpu.dma_semaphore, #tpu.memory_space<semaphore_mem>>) src(%dma_wait3A_55 : memref<128x40xf32, #tpu.memory_space<vmem>>) dst(%dma_wait3A_61 : memref<10240x40xf32, #tpu.memory_space<vmem_shared>>)
    %barrier3A_62 = arith.constant 0 : index
    tpu.barrier barrier_id(%barrier3A_62)
    %eq3A_63 = arith.constant 0 : i32
    %eq3A_64 = arith.cmpi eq, %arg1, %eq3A_63 : i32
    %convert_element_type3A_65 = arith.extui %eq3A_64 : i1 to i32
    %cond3A_66 = arith.constant 0 : i32
    %cond3A_67 = arith.cmpi ne, %convert_element_type3A_65, %cond3A_66 : i32
    scf.if %cond3A_67 {
      "tpu.region"() ({
        %run_scoped3A = tpu.sem_alloc : memref<!tpu.dma_semaphore, #tpu.memory_space<semaphore_mem>>
        %dma_start3A_68 = arith.constant 0 : i32
        %dma_start3A_69 = arith.constant 0 : i32
        %dma_start3A_70 = tpu.memref_slice %arg5[%arg0, %dma_start3A_68, %dma_start3A_69] : memref<2x10240x40xf32, #tpu.memory_space<hbm>> -> memref<1x10240x40xf32, #tpu.memory_space<hbm>>
        %dma_start3A_71 = tpu.memref_squeeze %dma_start3A_70 : memref<1x10240x40xf32, #tpu.memory_space<hbm>> -> memref<10240x40xf32, #tpu.memory_space<hbm>>
        tpu.enqueue_dma source(%arg8 : memref<10240x40xf32, #tpu.memory_space<vmem_shared>>) target(%dma_start3A_71 : memref<10240x40xf32, #tpu.memory_space<hbm>>) target_semaphore(%run_scoped3A : memref<!tpu.dma_semaphore, #tpu.memory_space<semaphore_mem>>)
        %dma_wait3A_72 = arith.constant 0 : i32
        %dma_wait3A_73 = arith.constant 0 : i32
        %dma_wait3A_74 = tpu.memref_slice %arg5[%arg0, %dma_wait3A_72, %dma_wait3A_73] : memref<2x10240x40xf32, #tpu.memory_space<hbm>> -> memref<1x10240x40xf32, #tpu.memory_space<hbm>>
        %dma_wait3A_75 = tpu.memref_squeeze %dma_wait3A_74 : memref<1x10240x40xf32, #tpu.memory_space<hbm>> -> memref<10240x40xf32, #tpu.memory_space<hbm>>
        tpu.wait_dma2 semaphore(%run_scoped3A : memref<!tpu.dma_semaphore, #tpu.memory_space<semaphore_mem>>) src(%arg8 : memref<10240x40xf32, #tpu.memory_space<vmem_shared>>) dst(%dma_wait3A_75 : memref<10240x40xf32, #tpu.memory_space<hbm>>)
        tpu.yield
      }) : () -> ()
    } else {
    }
    return
  }
}

#map = affine_map<(d0, d1) -> (0, 0, 0)>
#map1 = affine_map<(d0, d1) -> (0, 0)>
module attributes {stable_mosaic.version = 14 : i64} {
  func.func @_deg_body(%arg0: i32, %arg1: i32, %arg2: memref<2560x2x128xi32, #tpu.memory_space<hbm>>, %arg3: memref<10240x8xf32, #tpu.memory_space<hbm>>, %arg4: memref<128x8xf32, #tpu.memory_space<hbm>>, %arg5: memref<2x10240x8xf32, #tpu.memory_space<hbm>>, %arg6: memref<80x2x128xi32, #tpu.memory_space<vmem>>, %arg7: memref<128x8xf32, #tpu.memory_space<vmem>>, %arg8: memref<10240x8xf32, #tpu.memory_space<vmem_shared>>, %arg9: memref<!tpu.dma_semaphore, #tpu.memory_space<semaphore_mem>>) attributes {dimension_semantics = [#tpu.dimension_semantics<core_parallel>, #tpu.dimension_semantics<subcore_parallel>], iteration_bounds = array<i64: 2, 16>, scalar_prefetch = 0 : i64, scratch_operands = 4 : i64, tpu.core_type = #tpu.core_type<sc_vector_subcore>, window_params = [{transform_indices = #map}, {transform_indices = #map1}, {transform_indices = #map1}, {transform_indices = #map}]} {
    %mul3A = arith.constant 16 : i32
    %mul3A_0 = arith.muli %arg0, %mul3A : i32
    %add3A = arith.addi %mul3A_0, %arg1 : i32
    %mul3A_1 = arith.constant 80 : i32
    %mul3A_2 = arith.muli %add3A, %mul3A_1 : i32
    "tpu.region"() ({
      %run_scoped3A = tpu.sem_alloc : memref<!tpu.dma_semaphore, #tpu.memory_space<semaphore_mem>>
      %dma_start3A = arith.constant 0 : i32
      %dma_start3A_22 = arith.constant 0 : i32
      %dma_start3A_23 = tpu.memref_slice %arg2[%mul3A_2, %dma_start3A, %dma_start3A_22] : memref<2560x2x128xi32, #tpu.memory_space<hbm>> -> memref<80x2x128xi32, #tpu.memory_space<hbm>>
      %dma_start3A_24 = arith.constant 0 : i32
      %dma_start3A_25 = arith.constant 0 : i32
      %dma_start3A_26 = tpu.memref_slice %arg2[%mul3A_2, %dma_start3A_24, %dma_start3A_25] : memref<2560x2x128xi32, #tpu.memory_space<hbm>> -> memref<80x2x128xi32, #tpu.memory_space<hbm>>
      tpu.enqueue_dma source(%dma_start3A_26 : memref<80x2x128xi32, #tpu.memory_space<hbm>>) target(%arg6 : memref<80x2x128xi32, #tpu.memory_space<vmem>>) target_semaphore(%run_scoped3A : memref<!tpu.dma_semaphore, #tpu.memory_space<semaphore_mem>>)
      %dma_wait3A = arith.constant 0 : i32
      %dma_wait3A_27 = arith.constant 0 : i32
      %dma_wait3A_28 = tpu.memref_slice %arg2[%mul3A_2, %dma_wait3A, %dma_wait3A_27] : memref<2560x2x128xi32, #tpu.memory_space<hbm>> -> memref<80x2x128xi32, #tpu.memory_space<hbm>>
      %dma_wait3A_29 = arith.constant 0 : i32
      %dma_wait3A_30 = arith.constant 0 : i32
      %dma_wait3A_31 = tpu.memref_slice %arg2[%mul3A_2, %dma_wait3A_29, %dma_wait3A_30] : memref<2560x2x128xi32, #tpu.memory_space<hbm>> -> memref<80x2x128xi32, #tpu.memory_space<hbm>>
      tpu.wait_dma2 semaphore(%run_scoped3A : memref<!tpu.dma_semaphore, #tpu.memory_space<semaphore_mem>>) src(%dma_wait3A_31 : memref<80x2x128xi32, #tpu.memory_space<hbm>>) dst(%arg6 : memref<80x2x128xi32, #tpu.memory_space<vmem>>)
      tpu.yield
    }) : () -> ()
    "tpu.region"() ({
      %run_scoped3A = tpu.sem_alloc : memref<!tpu.dma_semaphore, #tpu.memory_space<semaphore_mem>>
      tpu.enqueue_dma source(%arg4 : memref<128x8xf32, #tpu.memory_space<hbm>>) target(%arg7 : memref<128x8xf32, #tpu.memory_space<vmem>>) target_semaphore(%run_scoped3A : memref<!tpu.dma_semaphore, #tpu.memory_space<semaphore_mem>>)
      tpu.wait_dma2 semaphore(%run_scoped3A : memref<!tpu.dma_semaphore, #tpu.memory_space<semaphore_mem>>) src(%arg4 : memref<128x8xf32, #tpu.memory_space<hbm>>) dst(%arg7 : memref<128x8xf32, #tpu.memory_space<vmem>>)
      tpu.yield
    }) : () -> ()
    %eq3A = arith.constant 0 : i32
    %eq3A_3 = arith.cmpi eq, %arg1, %eq3A : i32
    %convert_element_type3A = arith.extui %eq3A_3 : i1 to i32
    %cond3A = arith.constant 0 : i32
    %cond3A_4 = arith.cmpi ne, %convert_element_type3A, %cond3A : i32
    scf.if %cond3A_4 {
      "tpu.region"() ({
        %run_scoped3A = tpu.sem_alloc : memref<!tpu.dma_semaphore, #tpu.memory_space<semaphore_mem>>
        tpu.enqueue_dma source(%arg3 : memref<10240x8xf32, #tpu.memory_space<hbm>>) target(%arg8 : memref<10240x8xf32, #tpu.memory_space<vmem_shared>>) target_semaphore(%run_scoped3A : memref<!tpu.dma_semaphore, #tpu.memory_space<semaphore_mem>>)
        tpu.wait_dma2 semaphore(%run_scoped3A : memref<!tpu.dma_semaphore, #tpu.memory_space<semaphore_mem>>) src(%arg3 : memref<10240x8xf32, #tpu.memory_space<hbm>>) dst(%arg8 : memref<10240x8xf32, #tpu.memory_space<vmem_shared>>)
        tpu.yield
      }) : () -> ()
    } else {
    }
    %barrier3A = arith.constant 0 : index
    tpu.barrier barrier_id(%barrier3A)
    %scan3A = arith.constant 0 : i32
    %scan3A_5 = arith.constant 0 : i32
    %scan3A_6 = arith.constant 80 : i32
    %scan3A_7 = arith.addi %scan3A_5, %scan3A_6 : i32
    %scan3A_8 = arith.constant 1 : i32
    scf.for %scan3A_22 = %scan3A_5 to %scan3A_7 step %scan3A_8  : i32 {
      %dma_start3A = arith.constant 1 : i32
      %dma_start3A_23 = arith.constant 0 : i32
      %dma_start3A_24 = tpu.memref_slice %arg6[%scan3A_22, %dma_start3A, %dma_start3A_23] : memref<80x2x128xi32, #tpu.memory_space<vmem>> -> memref<1x1x128xi32, #tpu.memory_space<vmem>>
      %dma_start3A_25 = tpu.memref_squeeze %dma_start3A_24 : memref<1x1x128xi32, #tpu.memory_space<vmem>> -> memref<128xi32, #tpu.memory_space<vmem>>
      %dma_start3A_26 = arith.constant 0 : i32
      %dma_start3A_27 = arith.constant 0 : i32
      %dma_start3A_28 = tpu.memref_slice %arg8[%dma_start3A_26, %dma_start3A_27] : memref<10240x8xf32, #tpu.memory_space<vmem_shared>> -> memref<10240x8xf32, #tpu.memory_space<vmem_shared>>
      tpu.enqueue_indirect_dma source(%arg7 : memref<128x8xf32, #tpu.memory_space<vmem>>) target(%dma_start3A_28 : memref<10240x8xf32, #tpu.memory_space<vmem_shared>>) offsets(%dma_start3A_25 : memref<128xi32, #tpu.memory_space<vmem>>) semaphore(%arg9 : memref<!tpu.dma_semaphore, #tpu.memory_space<semaphore_mem>>) {add = true}
    }
    %scan3A_9 = arith.constant 80 : i32
    %scan3A_10 = arith.constant 0 : i32
    %scan3A_11 = arith.constant 0 : i32
    %scan3A_12 = arith.constant 80 : i32
    %scan3A_13 = arith.addi %scan3A_11, %scan3A_12 : i32
    %scan3A_14 = arith.constant 1 : i32
    scf.for %scan3A_22 = %scan3A_11 to %scan3A_13 step %scan3A_14  : i32 {
      %dma_wait3A = arith.constant 0 : i32
      %dma_wait3A_23 = arith.constant 1 : i32
      %dma_wait3A_24 = arith.constant 0 : i32
      %dma_wait3A_25 = tpu.memref_slice %arg6[%dma_wait3A, %dma_wait3A_23, %dma_wait3A_24] : memref<80x2x128xi32, #tpu.memory_space<vmem>> -> memref<1x1x128xi32, #tpu.memory_space<vmem>>
      %dma_wait3A_26 = tpu.memref_squeeze %dma_wait3A_25 : memref<1x1x128xi32, #tpu.memory_space<vmem>> -> memref<128xi32, #tpu.memory_space<vmem>>
      %dma_wait3A_27 = arith.constant 0 : i32
      %dma_wait3A_28 = arith.constant 0 : i32
      %dma_wait3A_29 = tpu.memref_slice %arg8[%dma_wait3A_27, %dma_wait3A_28] : memref<10240x8xf32, #tpu.memory_space<vmem_shared>> -> memref<10240x8xf32, #tpu.memory_space<vmem_shared>>
      tpu.wait_indirect_dma semaphore(%arg9 : memref<!tpu.dma_semaphore, #tpu.memory_space<semaphore_mem>>) src(%arg7 : memref<128x8xf32, #tpu.memory_space<vmem>>) dst(%dma_wait3A_29 : memref<10240x8xf32, #tpu.memory_space<vmem_shared>>)
    }
    %scan3A_15 = arith.constant 80 : i32
    %barrier3A_16 = arith.constant 0 : index
    tpu.barrier barrier_id(%barrier3A_16)
    %eq3A_17 = arith.constant 0 : i32
    %eq3A_18 = arith.cmpi eq, %arg1, %eq3A_17 : i32
    %convert_element_type3A_19 = arith.extui %eq3A_18 : i1 to i32
    %cond3A_20 = arith.constant 0 : i32
    %cond3A_21 = arith.cmpi ne, %convert_element_type3A_19, %cond3A_20 : i32
    scf.if %cond3A_21 {
      "tpu.region"() ({
        %run_scoped3A = tpu.sem_alloc : memref<!tpu.dma_semaphore, #tpu.memory_space<semaphore_mem>>
        %dma_start3A = arith.constant 0 : i32
        %dma_start3A_22 = arith.constant 0 : i32
        %dma_start3A_23 = tpu.memref_slice %arg5[%arg0, %dma_start3A, %dma_start3A_22] : memref<2x10240x8xf32, #tpu.memory_space<hbm>> -> memref<1x10240x8xf32, #tpu.memory_space<hbm>>
        %dma_start3A_24 = tpu.memref_squeeze %dma_start3A_23 : memref<1x10240x8xf32, #tpu.memory_space<hbm>> -> memref<10240x8xf32, #tpu.memory_space<hbm>>
        tpu.enqueue_dma source(%arg8 : memref<10240x8xf32, #tpu.memory_space<vmem_shared>>) target(%dma_start3A_24 : memref<10240x8xf32, #tpu.memory_space<hbm>>) target_semaphore(%run_scoped3A : memref<!tpu.dma_semaphore, #tpu.memory_space<semaphore_mem>>)
        %dma_wait3A = arith.constant 0 : i32
        %dma_wait3A_25 = arith.constant 0 : i32
        %dma_wait3A_26 = tpu.memref_slice %arg5[%arg0, %dma_wait3A, %dma_wait3A_25] : memref<2x10240x8xf32, #tpu.memory_space<hbm>> -> memref<1x10240x8xf32, #tpu.memory_space<hbm>>
        %dma_wait3A_27 = tpu.memref_squeeze %dma_wait3A_26 : memref<1x10240x8xf32, #tpu.memory_space<hbm>> -> memref<10240x8xf32, #tpu.memory_space<hbm>>
        tpu.wait_dma2 semaphore(%run_scoped3A : memref<!tpu.dma_semaphore, #tpu.memory_space<semaphore_mem>>) src(%arg8 : memref<10240x8xf32, #tpu.memory_space<vmem_shared>>) dst(%dma_wait3A_27 : memref<10240x8xf32, #tpu.memory_space<hbm>>)
        tpu.yield
      }) : () -> ()
    } else {
    }
    return
  }
}

#map = affine_map<(d0, d1) -> (0, 0, 0)>
#map1 = affine_map<(d0, d1) -> (0, 0)>
module attributes {stable_mosaic.version = 14 : i64} {
  func.func @body(%arg0: i32, %arg1: i32, %arg2: memref<2560x2x128xi32, #tpu.memory_space<hbm>>, %arg3: memref<10240x64xbf16, #tpu.memory_space<hbm>>, %arg4: memref<10240x64xbf16, #tpu.memory_space<hbm>>, %arg5: memref<2x10240x64xbf16, #tpu.memory_space<hbm>>, %arg6: memref<80x2x128xi32, #tpu.memory_space<vmem>>, %arg7: memref<2x128x64xbf16, #tpu.memory_space<vmem>>, %arg8: memref<10240x64xbf16, #tpu.memory_space<vmem_shared>>, %arg9: memref<10240x64xbf16, #tpu.memory_space<vmem_shared>>, %arg10: memref<!tpu.dma_semaphore, #tpu.memory_space<semaphore_mem>>, %arg11: memref<!tpu.dma_semaphore, #tpu.memory_space<semaphore_mem>>, %arg12: memref<!tpu.dma_semaphore, #tpu.memory_space<semaphore_mem>>, %arg13: memref<!tpu.dma_semaphore, #tpu.memory_space<semaphore_mem>>) attributes {dimension_semantics = [#tpu.dimension_semantics<core_parallel>, #tpu.dimension_semantics<subcore_parallel>], iteration_bounds = array<i64: 2, 16>, scalar_prefetch = 0 : i64, scratch_operands = 8 : i64, tpu.core_type = #tpu.core_type<sc_vector_subcore>, window_params = [{transform_indices = #map}, {transform_indices = #map1}, {transform_indices = #map1}, {transform_indices = #map}]} {
    %mul3A = arith.constant 16 : i32
    %mul3A_0 = arith.muli %arg0, %mul3A : i32
    %add3A = arith.addi %mul3A_0, %arg1 : i32
    %mul3A_1 = arith.constant 80 : i32
    %mul3A_2 = arith.muli %add3A, %mul3A_1 : i32
    "tpu.region"() ({
      %run_scoped3A = tpu.sem_alloc : memref<!tpu.dma_semaphore, #tpu.memory_space<semaphore_mem>>
      %dma_start3A_68 = arith.constant 0 : i32
      %dma_start3A_69 = arith.constant 0 : i32
      %dma_start3A_70 = tpu.memref_slice %arg2[%mul3A_2, %dma_start3A_68, %dma_start3A_69] : memref<2560x2x128xi32, #tpu.memory_space<hbm>> -> memref<80x2x128xi32, #tpu.memory_space<hbm>>
      %dma_start3A_71 = arith.constant 0 : i32
      %dma_start3A_72 = arith.constant 0 : i32
      %dma_start3A_73 = tpu.memref_slice %arg2[%mul3A_2, %dma_start3A_71, %dma_start3A_72] : memref<2560x2x128xi32, #tpu.memory_space<hbm>> -> memref<80x2x128xi32, #tpu.memory_space<hbm>>
      tpu.enqueue_dma source(%dma_start3A_73 : memref<80x2x128xi32, #tpu.memory_space<hbm>>) target(%arg6 : memref<80x2x128xi32, #tpu.memory_space<vmem>>) target_semaphore(%run_scoped3A : memref<!tpu.dma_semaphore, #tpu.memory_space<semaphore_mem>>)
      %dma_wait3A_74 = arith.constant 0 : i32
      %dma_wait3A_75 = arith.constant 0 : i32
      %dma_wait3A_76 = tpu.memref_slice %arg2[%mul3A_2, %dma_wait3A_74, %dma_wait3A_75] : memref<2560x2x128xi32, #tpu.memory_space<hbm>> -> memref<80x2x128xi32, #tpu.memory_space<hbm>>
      %dma_wait3A_77 = arith.constant 0 : i32
      %dma_wait3A_78 = arith.constant 0 : i32
      %dma_wait3A_79 = tpu.memref_slice %arg2[%mul3A_2, %dma_wait3A_77, %dma_wait3A_78] : memref<2560x2x128xi32, #tpu.memory_space<hbm>> -> memref<80x2x128xi32, #tpu.memory_space<hbm>>
      tpu.wait_dma2 semaphore(%run_scoped3A : memref<!tpu.dma_semaphore, #tpu.memory_space<semaphore_mem>>) src(%dma_wait3A_79 : memref<80x2x128xi32, #tpu.memory_space<hbm>>) dst(%arg6 : memref<80x2x128xi32, #tpu.memory_space<vmem>>)
      tpu.yield
    }) : () -> ()
    %eq3A = arith.constant 0 : i32
    %eq3A_3 = arith.cmpi eq, %arg1, %eq3A : i32
    %eq3A_4 = arith.constant 0 : i32
    %eq3A_5 = arith.cmpi eq, %arg0, %eq3A_4 : i32
    %and3A = arith.andi %eq3A_3, %eq3A_5 : i1
    %convert_element_type3A = arith.extui %and3A : i1 to i32
    %cond3A = arith.constant 0 : i32
    %cond3A_6 = arith.cmpi ne, %convert_element_type3A, %cond3A : i32
    scf.if %cond3A_6 {
      "tpu.region"() ({
        %run_scoped3A = tpu.sem_alloc : memref<!tpu.dma_semaphore, #tpu.memory_space<semaphore_mem>>
        tpu.enqueue_dma source(%arg3 : memref<10240x64xbf16, #tpu.memory_space<hbm>>) target(%arg8 : memref<10240x64xbf16, #tpu.memory_space<vmem_shared>>) target_semaphore(%run_scoped3A : memref<!tpu.dma_semaphore, #tpu.memory_space<semaphore_mem>>)
        tpu.wait_dma2 semaphore(%run_scoped3A : memref<!tpu.dma_semaphore, #tpu.memory_space<semaphore_mem>>) src(%arg3 : memref<10240x64xbf16, #tpu.memory_space<hbm>>) dst(%arg8 : memref<10240x64xbf16, #tpu.memory_space<vmem_shared>>)
        tpu.yield
      }) : () -> ()
    } else {
    }
    %eq3A_7 = arith.constant 0 : i32
    %eq3A_8 = arith.cmpi eq, %arg1, %eq3A_7 : i32
    %eq3A_9 = arith.constant 1 : i32
    %eq3A_10 = arith.cmpi eq, %arg0, %eq3A_9 : i32
    %and3A_11 = arith.andi %eq3A_8, %eq3A_10 : i1
    %convert_element_type3A_12 = arith.extui %and3A_11 : i1 to i32
    %cond3A_13 = arith.constant 0 : i32
    %cond3A_14 = arith.cmpi ne, %convert_element_type3A_12, %cond3A_13 : i32
    scf.if %cond3A_14 {
      "tpu.region"() ({
        %run_scoped3A = tpu.sem_alloc : memref<!tpu.dma_semaphore, #tpu.memory_space<semaphore_mem>>
        tpu.enqueue_dma source(%arg4 : memref<10240x64xbf16, #tpu.memory_space<hbm>>) target(%arg8 : memref<10240x64xbf16, #tpu.memory_space<vmem_shared>>) target_semaphore(%run_scoped3A : memref<!tpu.dma_semaphore, #tpu.memory_space<semaphore_mem>>)
        tpu.wait_dma2 semaphore(%run_scoped3A : memref<!tpu.dma_semaphore, #tpu.memory_space<semaphore_mem>>) src(%arg4 : memref<10240x64xbf16, #tpu.memory_space<hbm>>) dst(%arg8 : memref<10240x64xbf16, #tpu.memory_space<vmem_shared>>)
        tpu.yield
      }) : () -> ()
    } else {
    }
    %eq3A_15 = arith.constant 1 : i32
    %eq3A_16 = arith.cmpi eq, %arg1, %eq3A_15 : i32
    %convert_element_type3A_17 = arith.extui %eq3A_16 : i1 to i32
    %cond3A_18 = arith.constant 0 : i32
    %cond3A_19 = arith.cmpi ne, %convert_element_type3A_17, %cond3A_18 : i32
    scf.if %cond3A_19 {
      "tpu.region"() ({
        %run_scoped3A = tpu.sem_alloc : memref<!tpu.dma_semaphore, #tpu.memory_space<semaphore_mem>>
        tpu.enqueue_dma source(%arg3 : memref<10240x64xbf16, #tpu.memory_space<hbm>>) target(%arg9 : memref<10240x64xbf16, #tpu.memory_space<vmem_shared>>) target_semaphore(%run_scoped3A : memref<!tpu.dma_semaphore, #tpu.memory_space<semaphore_mem>>)
        tpu.wait_dma2 semaphore(%run_scoped3A : memref<!tpu.dma_semaphore, #tpu.memory_space<semaphore_mem>>) src(%arg3 : memref<10240x64xbf16, #tpu.memory_space<hbm>>) dst(%arg9 : memref<10240x64xbf16, #tpu.memory_space<vmem_shared>>)
        tpu.yield
      }) : () -> ()
    } else {
    }
    %barrier3A = arith.constant 0 : index
    tpu.barrier barrier_id(%barrier3A)
    %dma_start3A = arith.constant 0 : i32
    %dma_start3A_20 = arith.constant 0 : i32
    %dma_start3A_21 = arith.constant 0 : i32
    %dma_start3A_22 = arith.constant 0 : i32
    %dma_start3A_23 = arith.constant 0 : i32
    %dma_start3A_24 = tpu.memref_slice %arg7[%dma_start3A_21, %dma_start3A_22, %dma_start3A_23] : memref<2x128x64xbf16, #tpu.memory_space<vmem>> -> memref<1x128x64xbf16, #tpu.memory_space<vmem>>
    %dma_start3A_25 = tpu.memref_squeeze %dma_start3A_24 : memref<1x128x64xbf16, #tpu.memory_space<vmem>> -> memref<128x64xbf16, #tpu.memory_space<vmem>>
    %dma_start3A_26 = arith.constant 0 : i32
    %dma_start3A_27 = tpu.memref_slice %arg6[%dma_start3A, %dma_start3A_20, %dma_start3A_26] : memref<80x2x128xi32, #tpu.memory_space<vmem>> -> memref<1x1x128xi32, #tpu.memory_space<vmem>>
    %dma_start3A_28 = tpu.memref_squeeze %dma_start3A_27 : memref<1x1x128xi32, #tpu.memory_space<vmem>> -> memref<128xi32, #tpu.memory_space<vmem>>
    %dma_start3A_29 = arith.constant 0 : i32
    %dma_start3A_30 = arith.constant 0 : i32
    %dma_start3A_31 = tpu.memref_slice %arg9[%dma_start3A_29, %dma_start3A_30] : memref<10240x64xbf16, #tpu.memory_space<vmem_shared>> -> memref<10240x64xbf16, #tpu.memory_space<vmem_shared>>
    tpu.enqueue_indirect_dma source(%dma_start3A_31 : memref<10240x64xbf16, #tpu.memory_space<vmem_shared>>) target(%dma_start3A_25 : memref<128x64xbf16, #tpu.memory_space<vmem>>) offsets(%dma_start3A_28 : memref<128xi32, #tpu.memory_space<vmem>>) semaphore(%arg10 : memref<!tpu.dma_semaphore, #tpu.memory_space<semaphore_mem>>)
    %scan3A = arith.constant 0 : i32
    %scan3A_32 = arith.constant 0 : i32
    %scan3A_33 = arith.constant 40 : i32
    %scan3A_34 = arith.addi %scan3A_32, %scan3A_33 : i32
    %scan3A_35 = arith.constant 1 : i32
    scf.for %scan3A_68 = %scan3A_32 to %scan3A_34 step %scan3A_35  : i32 {
      %mul3A_69 = arith.constant 2 : i32
      %mul3A_70 = arith.muli %scan3A_68, %mul3A_69 : i32
      %add3A_71 = arith.constant 0 : i32
      %add3A_72 = arith.addi %mul3A_70, %add3A_71 : i32
      %dma_wait3A_73 = arith.constant 0 : i32
      %dma_wait3A_74 = arith.constant 0 : i32
      %dma_wait3A_75 = arith.constant 0 : i32
      %dma_wait3A_76 = arith.constant 0 : i32
      %dma_wait3A_77 = tpu.memref_slice %arg7[%dma_wait3A_74, %dma_wait3A_75, %dma_wait3A_76] : memref<2x128x64xbf16, #tpu.memory_space<vmem>> -> memref<1x128x64xbf16, #tpu.memory_space<vmem>>
      %dma_wait3A_78 = tpu.memref_squeeze %dma_wait3A_77 : memref<1x128x64xbf16, #tpu.memory_space<vmem>> -> memref<128x64xbf16, #tpu.memory_space<vmem>>
      %dma_wait3A_79 = arith.constant 0 : i32
      %dma_wait3A_80 = tpu.memref_slice %arg6[%add3A_72, %dma_wait3A_73, %dma_wait3A_79] : memref<80x2x128xi32, #tpu.memory_space<vmem>> -> memref<1x1x128xi32, #tpu.memory_space<vmem>>
      %dma_wait3A_81 = tpu.memref_squeeze %dma_wait3A_80 : memref<1x1x128xi32, #tpu.memory_space<vmem>> -> memref<128xi32, #tpu.memory_space<vmem>>
      %dma_wait3A_82 = arith.constant 0 : i32
      %dma_wait3A_83 = arith.constant 0 : i32
      %dma_wait3A_84 = tpu.memref_slice %arg9[%dma_wait3A_82, %dma_wait3A_83] : memref<10240x64xbf16, #tpu.memory_space<vmem_shared>> -> memref<10240x64xbf16, #tpu.memory_space<vmem_shared>>
      tpu.wait_indirect_dma semaphore(%arg10 : memref<!tpu.dma_semaphore, #tpu.memory_space<semaphore_mem>>) src(%dma_wait3A_84 : memref<10240x64xbf16, #tpu.memory_space<vmem_shared>>) dst(%dma_wait3A_78 : memref<128x64xbf16, #tpu.memory_space<vmem>>)
      %dma_start3A_85 = arith.constant 0 : i32
      %dma_start3A_86 = arith.constant 1 : i32
      %dma_start3A_87 = arith.constant 0 : i32
      %dma_start3A_88 = arith.constant 0 : i32
      %dma_start3A_89 = tpu.memref_slice %arg7[%dma_start3A_85, %dma_start3A_87, %dma_start3A_88] : memref<2x128x64xbf16, #tpu.memory_space<vmem>> -> memref<1x128x64xbf16, #tpu.memory_space<vmem>>
      %dma_start3A_90 = tpu.memref_squeeze %dma_start3A_89 : memref<1x128x64xbf16, #tpu.memory_space<vmem>> -> memref<128x64xbf16, #tpu.memory_space<vmem>>
      %dma_start3A_91 = arith.constant 0 : i32
      %dma_start3A_92 = tpu.memref_slice %arg6[%add3A_72, %dma_start3A_86, %dma_start3A_91] : memref<80x2x128xi32, #tpu.memory_space<vmem>> -> memref<1x1x128xi32, #tpu.memory_space<vmem>>
      %dma_start3A_93 = tpu.memref_squeeze %dma_start3A_92 : memref<1x1x128xi32, #tpu.memory_space<vmem>> -> memref<128xi32, #tpu.memory_space<vmem>>
      %dma_start3A_94 = arith.constant 0 : i32
      %dma_start3A_95 = arith.constant 0 : i32
      %dma_start3A_96 = tpu.memref_slice %arg8[%dma_start3A_94, %dma_start3A_95] : memref<10240x64xbf16, #tpu.memory_space<vmem_shared>> -> memref<10240x64xbf16, #tpu.memory_space<vmem_shared>>
      tpu.enqueue_indirect_dma source(%dma_start3A_90 : memref<128x64xbf16, #tpu.memory_space<vmem>>) target(%dma_start3A_96 : memref<10240x64xbf16, #tpu.memory_space<vmem_shared>>) offsets(%dma_start3A_93 : memref<128xi32, #tpu.memory_space<vmem>>) semaphore(%arg12 : memref<!tpu.dma_semaphore, #tpu.memory_space<semaphore_mem>>) {add = true}
      %add3A_97 = arith.constant 1 : i32
      %add3A_98 = arith.addi %add3A_72, %add3A_97 : i32
      %lt3A = arith.constant 80 : i32
      %lt3A_99 = arith.cmpi slt, %add3A_98, %lt3A : i32
      %convert_element_type3A_100 = arith.extui %lt3A_99 : i1 to i32
      %cond3A_101 = arith.constant 0 : i32
      %cond3A_102 = arith.cmpi ne, %convert_element_type3A_100, %cond3A_101 : i32
      scf.if %cond3A_102 {
        %ge3A = arith.constant 1 : i32
        %ge3A_138 = arith.cmpi sge, %add3A_72, %ge3A : i32
        %convert_element_type3A_139 = arith.extui %ge3A_138 : i1 to i32
        %cond3A_140 = arith.constant 0 : i32
        %cond3A_141 = arith.cmpi ne, %convert_element_type3A_139, %cond3A_140 : i32
        scf.if %cond3A_141 {
          %dma_wait3A_156 = arith.constant 1 : i32
          %dma_wait3A_157 = arith.constant 0 : i32
          %dma_wait3A_158 = arith.constant 1 : i32
          %dma_wait3A_159 = arith.constant 0 : i32
          %dma_wait3A_160 = arith.constant 0 : i32
          %dma_wait3A_161 = tpu.memref_slice %arg7[%dma_wait3A_156, %dma_wait3A_159, %dma_wait3A_160] : memref<2x128x64xbf16, #tpu.memory_space<vmem>> -> memref<1x128x64xbf16, #tpu.memory_space<vmem>>
          %dma_wait3A_162 = tpu.memref_squeeze %dma_wait3A_161 : memref<1x128x64xbf16, #tpu.memory_space<vmem>> -> memref<128x64xbf16, #tpu.memory_space<vmem>>
          %dma_wait3A_163 = arith.constant 0 : i32
          %dma_wait3A_164 = tpu.memref_slice %arg6[%dma_wait3A_157, %dma_wait3A_158, %dma_wait3A_163] : memref<80x2x128xi32, #tpu.memory_space<vmem>> -> memref<1x1x128xi32, #tpu.memory_space<vmem>>
          %dma_wait3A_165 = tpu.memref_squeeze %dma_wait3A_164 : memref<1x1x128xi32, #tpu.memory_space<vmem>> -> memref<128xi32, #tpu.memory_space<vmem>>
          %dma_wait3A_166 = arith.constant 0 : i32
          %dma_wait3A_167 = arith.constant 0 : i32
          %dma_wait3A_168 = tpu.memref_slice %arg8[%dma_wait3A_166, %dma_wait3A_167] : memref<10240x64xbf16, #tpu.memory_space<vmem_shared>> -> memref<10240x64xbf16, #tpu.memory_space<vmem_shared>>
          tpu.wait_indirect_dma semaphore(%arg13 : memref<!tpu.dma_semaphore, #tpu.memory_space<semaphore_mem>>) src(%dma_wait3A_162 : memref<128x64xbf16, #tpu.memory_space<vmem>>) dst(%dma_wait3A_168 : memref<10240x64xbf16, #tpu.memory_space<vmem_shared>>)
        } else {
        }
        %add3A_142 = arith.constant 1 : i32
        %add3A_143 = arith.addi %add3A_72, %add3A_142 : i32
        %dma_start3A_144 = arith.constant 0 : i32
        %dma_start3A_145 = arith.constant 1 : i32
        %dma_start3A_146 = arith.constant 0 : i32
        %dma_start3A_147 = arith.constant 0 : i32
        %dma_start3A_148 = tpu.memref_slice %arg7[%dma_start3A_145, %dma_start3A_146, %dma_start3A_147] : memref<2x128x64xbf16, #tpu.memory_space<vmem>> -> memref<1x128x64xbf16, #tpu.memory_space<vmem>>
        %dma_start3A_149 = tpu.memref_squeeze %dma_start3A_148 : memref<1x128x64xbf16, #tpu.memory_space<vmem>> -> memref<128x64xbf16, #tpu.memory_space<vmem>>
        %dma_start3A_150 = arith.constant 0 : i32
        %dma_start3A_151 = tpu.memref_slice %arg6[%add3A_143, %dma_start3A_144, %dma_start3A_150] : memref<80x2x128xi32, #tpu.memory_space<vmem>> -> memref<1x1x128xi32, #tpu.memory_space<vmem>>
        %dma_start3A_152 = tpu.memref_squeeze %dma_start3A_151 : memref<1x1x128xi32, #tpu.memory_space<vmem>> -> memref<128xi32, #tpu.memory_space<vmem>>
        %dma_start3A_153 = arith.constant 0 : i32
        %dma_start3A_154 = arith.constant 0 : i32
        %dma_start3A_155 = tpu.memref_slice %arg9[%dma_start3A_153, %dma_start3A_154] : memref<10240x64xbf16, #tpu.memory_space<vmem_shared>> -> memref<10240x64xbf16, #tpu.memory_space<vmem_shared>>
        tpu.enqueue_indirect_dma source(%dma_start3A_155 : memref<10240x64xbf16, #tpu.memory_space<vmem_shared>>) target(%dma_start3A_149 : memref<128x64xbf16, #tpu.memory_space<vmem>>) offsets(%dma_start3A_152 : memref<128xi32, #tpu.memory_space<vmem>>) semaphore(%arg11 : memref<!tpu.dma_semaphore, #tpu.memory_space<semaphore_mem>>)
      } else {
      }
      %mul3A_103 = arith.constant 2 : i32
      %mul3A_104 = arith.muli %scan3A_68, %mul3A_103 : i32
      %add3A_105 = arith.constant 1 : i32
      %add3A_106 = arith.addi %mul3A_104, %add3A_105 : i32
      %dma_wait3A_107 = arith.constant 0 : i32
      %dma_wait3A_108 = arith.constant 1 : i32
      %dma_wait3A_109 = arith.constant 0 : i32
      %dma_wait3A_110 = arith.constant 0 : i32
      %dma_wait3A_111 = tpu.memref_slice %arg7[%dma_wait3A_108, %dma_wait3A_109, %dma_wait3A_110] : memref<2x128x64xbf16, #tpu.memory_space<vmem>> -> memref<1x128x64xbf16, #tpu.memory_space<vmem>>
      %dma_wait3A_112 = tpu.memref_squeeze %dma_wait3A_111 : memref<1x128x64xbf16, #tpu.memory_space<vmem>> -> memref<128x64xbf16, #tpu.memory_space<vmem>>
      %dma_wait3A_113 = arith.constant 0 : i32
      %dma_wait3A_114 = tpu.memref_slice %arg6[%add3A_106, %dma_wait3A_107, %dma_wait3A_113] : memref<80x2x128xi32, #tpu.memory_space<vmem>> -> memref<1x1x128xi32, #tpu.memory_space<vmem>>
      %dma_wait3A_115 = tpu.memref_squeeze %dma_wait3A_114 : memref<1x1x128xi32, #tpu.memory_space<vmem>> -> memref<128xi32, #tpu.memory_space<vmem>>
      %dma_wait3A_116 = arith.constant 0 : i32
      %dma_wait3A_117 = arith.constant 0 : i32
      %dma_wait3A_118 = tpu.memref_slice %arg9[%dma_wait3A_116, %dma_wait3A_117] : memref<10240x64xbf16, #tpu.memory_space<vmem_shared>> -> memref<10240x64xbf16, #tpu.memory_space<vmem_shared>>
      tpu.wait_indirect_dma semaphore(%arg11 : memref<!tpu.dma_semaphore, #tpu.memory_space<semaphore_mem>>) src(%dma_wait3A_118 : memref<10240x64xbf16, #tpu.memory_space<vmem_shared>>) dst(%dma_wait3A_112 : memref<128x64xbf16, #tpu.memory_space<vmem>>)
      %dma_start3A_119 = arith.constant 1 : i32
      %dma_start3A_120 = arith.constant 1 : i32
      %dma_start3A_121 = arith.constant 0 : i32
      %dma_start3A_122 = arith.constant 0 : i32
      %dma_start3A_123 = tpu.memref_slice %arg7[%dma_start3A_119, %dma_start3A_121, %dma_start3A_122] : memref<2x128x64xbf16, #tpu.memory_space<vmem>> -> memref<1x128x64xbf16, #tpu.memory_space<vmem>>
      %dma_start3A_124 = tpu.memref_squeeze %dma_start3A_123 : memref<1x128x64xbf16, #tpu.memory_space<vmem>> -> memref<128x64xbf16, #tpu.memory_space<vmem>>
      %dma_start3A_125 = arith.constant 0 : i32
      %dma_start3A_126 = tpu.memref_slice %arg6[%add3A_106, %dma_start3A_120, %dma_start3A_125] : memref<80x2x128xi32, #tpu.memory_space<vmem>> -> memref<1x1x128xi32, #tpu.memory_space<vmem>>
      %dma_start3A_127 = tpu.memref_squeeze %dma_start3A_126 : memref<1x1x128xi32, #tpu.memory_space<vmem>> -> memref<128xi32, #tpu.memory_space<vmem>>
      %dma_start3A_128 = arith.constant 0 : i32
      %dma_start3A_129 = arith.constant 0 : i32
      %dma_start3A_130 = tpu.memref_slice %arg8[%dma_start3A_128, %dma_start3A_129] : memref<10240x64xbf16, #tpu.memory_space<vmem_shared>> -> memref<10240x64xbf16, #tpu.memory_space<vmem_shared>>
      tpu.enqueue_indirect_dma source(%dma_start3A_124 : memref<128x64xbf16, #tpu.memory_space<vmem>>) target(%dma_start3A_130 : memref<10240x64xbf16, #tpu.memory_space<vmem_shared>>) offsets(%dma_start3A_127 : memref<128xi32, #tpu.memory_space<vmem>>) semaphore(%arg13 : memref<!tpu.dma_semaphore, #tpu.memory_space<semaphore_mem>>) {add = true}
      %add3A_131 = arith.constant 1 : i32
      %add3A_132 = arith.addi %add3A_106, %add3A_131 : i32
      %lt3A_133 = arith.constant 80 : i32
      %lt3A_134 = arith.cmpi slt, %add3A_132, %lt3A_133 : i32
      %convert_element_type3A_135 = arith.extui %lt3A_134 : i1 to i32
      %cond3A_136 = arith.constant 0 : i32
      %cond3A_137 = arith.cmpi ne, %convert_element_type3A_135, %cond3A_136 : i32
      scf.if %cond3A_137 {
        %ge3A = arith.constant 1 : i32
        %ge3A_138 = arith.cmpi sge, %add3A_106, %ge3A : i32
        %convert_element_type3A_139 = arith.extui %ge3A_138 : i1 to i32
        %cond3A_140 = arith.constant 0 : i32
        %cond3A_141 = arith.cmpi ne, %convert_element_type3A_139, %cond3A_140 : i32
        scf.if %cond3A_141 {
          %dma_wait3A_156 = arith.constant 0 : i32
          %dma_wait3A_157 = arith.constant 0 : i32
          %dma_wait3A_158 = arith.constant 1 : i32
          %dma_wait3A_159 = arith.constant 0 : i32
          %dma_wait3A_160 = arith.constant 0 : i32
          %dma_wait3A_161 = tpu.memref_slice %arg7[%dma_wait3A_156, %dma_wait3A_159, %dma_wait3A_160] : memref<2x128x64xbf16, #tpu.memory_space<vmem>> -> memref<1x128x64xbf16, #tpu.memory_space<vmem>>
          %dma_wait3A_162 = tpu.memref_squeeze %dma_wait3A_161 : memref<1x128x64xbf16, #tpu.memory_space<vmem>> -> memref<128x64xbf16, #tpu.memory_space<vmem>>
          %dma_wait3A_163 = arith.constant 0 : i32
          %dma_wait3A_164 = tpu.memref_slice %arg6[%dma_wait3A_157, %dma_wait3A_158, %dma_wait3A_163] : memref<80x2x128xi32, #tpu.memory_space<vmem>> -> memref<1x1x128xi32, #tpu.memory_space<vmem>>
          %dma_wait3A_165 = tpu.memref_squeeze %dma_wait3A_164 : memref<1x1x128xi32, #tpu.memory_space<vmem>> -> memref<128xi32, #tpu.memory_space<vmem>>
          %dma_wait3A_166 = arith.constant 0 : i32
          %dma_wait3A_167 = arith.constant 0 : i32
          %dma_wait3A_168 = tpu.memref_slice %arg8[%dma_wait3A_166, %dma_wait3A_167] : memref<10240x64xbf16, #tpu.memory_space<vmem_shared>> -> memref<10240x64xbf16, #tpu.memory_space<vmem_shared>>
          tpu.wait_indirect_dma semaphore(%arg12 : memref<!tpu.dma_semaphore, #tpu.memory_space<semaphore_mem>>) src(%dma_wait3A_162 : memref<128x64xbf16, #tpu.memory_space<vmem>>) dst(%dma_wait3A_168 : memref<10240x64xbf16, #tpu.memory_space<vmem_shared>>)
        } else {
        }
        %add3A_142 = arith.constant 1 : i32
        %add3A_143 = arith.addi %add3A_106, %add3A_142 : i32
        %dma_start3A_144 = arith.constant 0 : i32
        %dma_start3A_145 = arith.constant 0 : i32
        %dma_start3A_146 = arith.constant 0 : i32
        %dma_start3A_147 = arith.constant 0 : i32
        %dma_start3A_148 = tpu.memref_slice %arg7[%dma_start3A_145, %dma_start3A_146, %dma_start3A_147] : memref<2x128x64xbf16, #tpu.memory_space<vmem>> -> memref<1x128x64xbf16, #tpu.memory_space<vmem>>
        %dma_start3A_149 = tpu.memref_squeeze %dma_start3A_148 : memref<1x128x64xbf16, #tpu.memory_space<vmem>> -> memref<128x64xbf16, #tpu.memory_space<vmem>>
        %dma_start3A_150 = arith.constant 0 : i32
        %dma_start3A_151 = tpu.memref_slice %arg6[%add3A_143, %dma_start3A_144, %dma_start3A_150] : memref<80x2x128xi32, #tpu.memory_space<vmem>> -> memref<1x1x128xi32, #tpu.memory_space<vmem>>
        %dma_start3A_152 = tpu.memref_squeeze %dma_start3A_151 : memref<1x1x128xi32, #tpu.memory_space<vmem>> -> memref<128xi32, #tpu.memory_space<vmem>>
        %dma_start3A_153 = arith.constant 0 : i32
        %dma_start3A_154 = arith.constant 0 : i32
        %dma_start3A_155 = tpu.memref_slice %arg9[%dma_start3A_153, %dma_start3A_154] : memref<10240x64xbf16, #tpu.memory_space<vmem_shared>> -> memref<10240x64xbf16, #tpu.memory_space<vmem_shared>>
        tpu.enqueue_indirect_dma source(%dma_start3A_155 : memref<10240x64xbf16, #tpu.memory_space<vmem_shared>>) target(%dma_start3A_149 : memref<128x64xbf16, #tpu.memory_space<vmem>>) offsets(%dma_start3A_152 : memref<128xi32, #tpu.memory_space<vmem>>) semaphore(%arg10 : memref<!tpu.dma_semaphore, #tpu.memory_space<semaphore_mem>>)
      } else {
      }
    }
    %scan3A_36 = arith.constant 40 : i32
    %dma_wait3A = arith.constant 0 : i32
    %dma_wait3A_37 = arith.constant 0 : i32
    %dma_wait3A_38 = arith.constant 1 : i32
    %dma_wait3A_39 = arith.constant 0 : i32
    %dma_wait3A_40 = arith.constant 0 : i32
    %dma_wait3A_41 = tpu.memref_slice %arg7[%dma_wait3A, %dma_wait3A_39, %dma_wait3A_40] : memref<2x128x64xbf16, #tpu.memory_space<vmem>> -> memref<1x128x64xbf16, #tpu.memory_space<vmem>>
    %dma_wait3A_42 = tpu.memref_squeeze %dma_wait3A_41 : memref<1x128x64xbf16, #tpu.memory_space<vmem>> -> memref<128x64xbf16, #tpu.memory_space<vmem>>
    %dma_wait3A_43 = arith.constant 0 : i32
    %dma_wait3A_44 = tpu.memref_slice %arg6[%dma_wait3A_37, %dma_wait3A_38, %dma_wait3A_43] : memref<80x2x128xi32, #tpu.memory_space<vmem>> -> memref<1x1x128xi32, #tpu.memory_space<vmem>>
    %dma_wait3A_45 = tpu.memref_squeeze %dma_wait3A_44 : memref<1x1x128xi32, #tpu.memory_space<vmem>> -> memref<128xi32, #tpu.memory_space<vmem>>
    %dma_wait3A_46 = arith.constant 0 : i32
    %dma_wait3A_47 = arith.constant 0 : i32
    %dma_wait3A_48 = tpu.memref_slice %arg8[%dma_wait3A_46, %dma_wait3A_47] : memref<10240x64xbf16, #tpu.memory_space<vmem_shared>> -> memref<10240x64xbf16, #tpu.memory_space<vmem_shared>>
    tpu.wait_indirect_dma semaphore(%arg12 : memref<!tpu.dma_semaphore, #tpu.memory_space<semaphore_mem>>) src(%dma_wait3A_42 : memref<128x64xbf16, #tpu.memory_space<vmem>>) dst(%dma_wait3A_48 : memref<10240x64xbf16, #tpu.memory_space<vmem_shared>>)
    %dma_wait3A_49 = arith.constant 1 : i32
    %dma_wait3A_50 = arith.constant 0 : i32
    %dma_wait3A_51 = arith.constant 1 : i32
    %dma_wait3A_52 = arith.constant 0 : i32
    %dma_wait3A_53 = arith.constant 0 : i32
    %dma_wait3A_54 = tpu.memref_slice %arg7[%dma_wait3A_49, %dma_wait3A_52, %dma_wait3A_53] : memref<2x128x64xbf16, #tpu.memory_space<vmem>> -> memref<1x128x64xbf16, #tpu.memory_space<vmem>>
    %dma_wait3A_55 = tpu.memref_squeeze %dma_wait3A_54 : memref<1x128x64xbf16, #tpu.memory_space<vmem>> -> memref<128x64xbf16, #tpu.memory_space<vmem>>
    %dma_wait3A_56 = arith.constant 0 : i32
    %dma_wait3A_57 = tpu.memref_slice %arg6[%dma_wait3A_50, %dma_wait3A_51, %dma_wait3A_56] : memref<80x2x128xi32, #tpu.memory_space<vmem>> -> memref<1x1x128xi32, #tpu.memory_space<vmem>>
    %dma_wait3A_58 = tpu.memref_squeeze %dma_wait3A_57 : memref<1x1x128xi32, #tpu.memory_space<vmem>> -> memref<128xi32, #tpu.memory_space<vmem>>
    %dma_wait3A_59 = arith.constant 0 : i32
    %dma_wait3A_60 = arith.constant 0 : i32
    %dma_wait3A_61 = tpu.memref_slice %arg8[%dma_wait3A_59, %dma_wait3A_60] : memref<10240x64xbf16, #tpu.memory_space<vmem_shared>> -> memref<10240x64xbf16, #tpu.memory_space<vmem_shared>>
    tpu.wait_indirect_dma semaphore(%arg13 : memref<!tpu.dma_semaphore, #tpu.memory_space<semaphore_mem>>) src(%dma_wait3A_55 : memref<128x64xbf16, #tpu.memory_space<vmem>>) dst(%dma_wait3A_61 : memref<10240x64xbf16, #tpu.memory_space<vmem_shared>>)
    %barrier3A_62 = arith.constant 0 : index
    tpu.barrier barrier_id(%barrier3A_62)
    %eq3A_63 = arith.constant 0 : i32
    %eq3A_64 = arith.cmpi eq, %arg1, %eq3A_63 : i32
    %convert_element_type3A_65 = arith.extui %eq3A_64 : i1 to i32
    %cond3A_66 = arith.constant 0 : i32
    %cond3A_67 = arith.cmpi ne, %convert_element_type3A_65, %cond3A_66 : i32
    scf.if %cond3A_67 {
      "tpu.region"() ({
        %run_scoped3A = tpu.sem_alloc : memref<!tpu.dma_semaphore, #tpu.memory_space<semaphore_mem>>
        %dma_start3A_68 = arith.constant 0 : i32
        %dma_start3A_69 = arith.constant 0 : i32
        %dma_start3A_70 = tpu.memref_slice %arg5[%arg0, %dma_start3A_68, %dma_start3A_69] : memref<2x10240x64xbf16, #tpu.memory_space<hbm>> -> memref<1x10240x64xbf16, #tpu.memory_space<hbm>>
        %dma_start3A_71 = tpu.memref_squeeze %dma_start3A_70 : memref<1x10240x64xbf16, #tpu.memory_space<hbm>> -> memref<10240x64xbf16, #tpu.memory_space<hbm>>
        tpu.enqueue_dma source(%arg8 : memref<10240x64xbf16, #tpu.memory_space<vmem_shared>>) target(%dma_start3A_71 : memref<10240x64xbf16, #tpu.memory_space<hbm>>) target_semaphore(%run_scoped3A : memref<!tpu.dma_semaphore, #tpu.memory_space<semaphore_mem>>)
        %dma_wait3A_72 = arith.constant 0 : i32
        %dma_wait3A_73 = arith.constant 0 : i32
        %dma_wait3A_74 = tpu.memref_slice %arg5[%arg0, %dma_wait3A_72, %dma_wait3A_73] : memref<2x10240x64xbf16, #tpu.memory_space<hbm>> -> memref<1x10240x64xbf16, #tpu.memory_space<hbm>>
        %dma_wait3A_75 = tpu.memref_squeeze %dma_wait3A_74 : memref<1x10240x64xbf16, #tpu.memory_space<hbm>> -> memref<10240x64xbf16, #tpu.memory_space<hbm>>
        tpu.wait_dma2 semaphore(%run_scoped3A : memref<!tpu.dma_semaphore, #tpu.memory_space<semaphore_mem>>) src(%arg8 : memref<10240x64xbf16, #tpu.memory_space<vmem_shared>>) dst(%dma_wait3A_75 : memref<10240x64xbf16, #tpu.memory_space<hbm>>)
        tpu.yield
      }) : () -> ()
    } else {
    }
    return
  }
}

module attributes {stable_mosaic.version = 14 : i64} {
  func.func @_tc1_body(%arg0: i32, %arg1: memref<2560x128xf32, #tpu.memory_space<vmem>>, %arg2: memref<128x64xf32, #tpu.memory_space<vmem>>, %arg3: memref<1x2560x8xf32, #tpu.memory_space<vmem>>, %arg4: memref<1x2560x8xf32, #tpu.memory_space<vmem>>, %arg5: memref<2560x64xbf16, #tpu.memory_space<vmem>>) attributes {dimension_semantics = [#tpu.dimension_semantics<arbitrary>], iteration_bounds = array<i64: 4>, scalar_prefetch = 0 : i64, scratch_operands = 0 : i64, tpu.core_type = #tpu.core_type<tc>, window_params = [{transform_indices = @transform_0, window_bounds = array<i64: 2560, 128>}, {pipeline_mode = #tpu.pipeline_mode<synchronous>, transform_indices = @transform_1, window_bounds = array<i64: 128, 64>}, {transform_indices = @transform_2, window_bounds = array<i64: 1, 2560, 8>}, {transform_indices = @transform_3, window_bounds = array<i64: 1, 2560, 8>}, {transform_indices = @transform_4, window_bounds = array<i64: 2560, 64>}]} {
    %get3A = arith.constant 0 : index
    %get3A_0 = arith.constant 0 : index
    %get3A_1 = arith.constant 0 : index
    %get3A_2 = vector.load %arg3[%get3A, %get3A_0, %get3A_1] : memref<1x2560x8xf32, #tpu.memory_space<vmem>>, vector<1x2560x1xf32>
    %get3A_3 = vector.shape_cast %get3A_2 : vector<1x2560x1xf32> to vector<2560x1xf32>
    %get3A_4 = arith.constant 0 : index
    %get3A_5 = arith.constant 0 : index
    %get3A_6 = arith.constant 0 : index
    %get3A_7 = vector.load %arg4[%get3A_4, %get3A_5, %get3A_6] : memref<1x2560x8xf32, #tpu.memory_space<vmem>>, vector<1x2560x1xf32>
    %get3A_8 = vector.shape_cast %get3A_7 : vector<1x2560x1xf32> to vector<2560x1xf32>
    %add3A = arith.addf %get3A_3, %get3A_8 : vector<2560x1xf32>
    %add3A_9 = arith.constant 1.000000e+00 : f32
    %add3A_10 = vector.broadcast %add3A_9 : f32 to vector<2560x1xf32>
    %add3A_11 = arith.addf %add3A, %add3A_10 : vector<2560x1xf32>
    %rsqrt3A = math.rsqrt %add3A_11 : vector<2560x1xf32>
    %get3A_12 = arith.constant 0 : index
    %get3A_13 = arith.constant 0 : index
    %get3A_14 = vector.load %arg1[%get3A_12, %get3A_13] : memref<2560x128xf32, #tpu.memory_space<vmem>>, vector<2560x128xf32>
    %get3A_15 = arith.constant 0 : index
    %get3A_16 = arith.constant 0 : index
    %get3A_17 = vector.load %arg2[%get3A_15, %get3A_16] : memref<128x64xf32, #tpu.memory_space<vmem>>, vector<128x64xf32>
    %dot_general3A = arith.constant dense<0.000000e+00> : vector<2560x64xf32>
    %dot_general3A_18 = tpu.matmul %get3A_14, %get3A_17, %dot_general3A {dimension_numbers = #tpu.dot_dimension_numbers<[1], [0], [0], [1], [0, 0, 1, 1], [], []>, transpose_lhs_hint = false} : vector<2560x128xf32>, vector<128x64xf32>, vector<2560x64xf32> -> vector<2560x64xf32>
    %mul3A = arith.constant 2560 : i32
    %mul3A_19 = arith.muli %arg0, %mul3A : i32
    %iota3A = tpu.iota {dimensions = array<i32: 0>} : vector<2560x1xi32>
    %add3A_20 = vector.broadcast %mul3A_19 : i32 to vector<2560x1xi32>
    %add3A_21 = arith.addi %add3A_20, %iota3A : vector<2560x1xi32>
    %lt3A = arith.constant 10000 : i32
    %lt3A_22 = vector.broadcast %lt3A : i32 to vector<2560x1xi32>
    %lt3A_23 = arith.cmpi slt, %add3A_21, %lt3A_22 : vector<2560x1xi32>
    %mul3A_24 = vector.broadcast %rsqrt3A : vector<2560x1xf32> to vector<2560x64xf32>
    %mul3A_25 = arith.mulf %dot_general3A_18, %mul3A_24 : vector<2560x64xf32>
    %jit3A = arith.constant 0.000000e+00 : f32
    %broadcast_in_dim3A = vector.shape_cast %lt3A_23 : vector<2560x1xi1> to vector<2560x1xi1>
    %broadcast_in_dim3A_26 = vector.broadcast %broadcast_in_dim3A : vector<2560x1xi1> to vector<2560x64xi1>
    %broadcast_in_dim3A_27 = vector.broadcast %jit3A : f32 to vector<2560x64xf32>
    %select_n3A = arith.select %broadcast_in_dim3A_26, %mul3A_25, %broadcast_in_dim3A_27 : vector<2560x64xi1>, vector<2560x64xf32>
    %convert_element_type3A = arith.truncf %select_n3A : vector<2560x64xf32> to vector<2560x64xbf16>
    %swap3A = arith.constant 0 : index
    %swap3A_28 = arith.constant 0 : index
    %swap3A_29 = vector.load %arg5[%swap3A, %swap3A_28] : memref<2560x64xbf16, #tpu.memory_space<vmem>>, vector<2560x64xbf16>
    tpu.vector_store %arg5[%swap3A, %swap3A_28], %convert_element_type3A {strides = array<i32>} : memref<2560x64xbf16, #tpu.memory_space<vmem>>, vector<2560x64xbf16>,
    return
  }
  func.func @transform_0(%arg0: i32) -> (i32, i32) {
    %c0_i32 = arith.constant 0 : i32
    %c0_i32_0 = arith.constant 0 : i32
    return %arg0, %c0_i32 : i32, i32
  }
  func.func @transform_1(%arg0: i32) -> (i32, i32) {
    %c0_i32 = arith.constant 0 : i32
    %c0_i32_0 = arith.constant 0 : i32
    %c0_i32_1 = arith.constant 0 : i32
    return %c0_i32, %c0_i32_0 : i32, i32
  }
  func.func @transform_2(%arg0: i32) -> (i32, i32, i32) {
    %c0_i32 = arith.constant 0 : i32
    %c0_i32_0 = arith.constant 0 : i32
    %c0_i32_1 = arith.constant 0 : i32
    return %c0_i32, %arg0, %c0_i32_0 : i32, i32, i32
  }
  func.func @transform_3(%arg0: i32) -> (i32, i32, i32) {
    %c1_i32 = arith.constant 1 : i32
    %c0_i32 = arith.constant 0 : i32
    %c0_i32_0 = arith.constant 0 : i32
    return %c1_i32, %arg0, %c0_i32 : i32, i32, i32
  }
  func.func @transform_4(%arg0: i32) -> (i32, i32) {
    %c0_i32 = arith.constant 0 : i32
    %c0_i32_0 = arith.constant 0 : i32
    return %arg0, %c0_i32 : i32, i32
  }
}

module attributes {stable_mosaic.version = 14 : i64} {
  func.func @_tc2_body(%arg0: i32, %arg1: memref<1x2560x64xbf16, #tpu.memory_space<vmem>>, %arg2: memref<1x2560x64xbf16, #tpu.memory_space<vmem>>, %arg3: memref<1x2560x8xf32, #tpu.memory_space<vmem>>, %arg4: memref<1x2560x8xf32, #tpu.memory_space<vmem>>, %arg5: memref<64x40xf32, #tpu.memory_space<vmem>>, %arg6: memref<1x64xf32, #tpu.memory_space<vmem>>, %arg7: memref<2560x40xf32, #tpu.memory_space<vmem>>) attributes {dimension_semantics = [#tpu.dimension_semantics<arbitrary>], iteration_bounds = array<i64: 4>, scalar_prefetch = 0 : i64, scratch_operands = 0 : i64, tpu.core_type = #tpu.core_type<tc>, window_params = [{transform_indices = @transform_0, window_bounds = array<i64: 1, 2560, 64>}, {transform_indices = @transform_1, window_bounds = array<i64: 1, 2560, 64>}, {transform_indices = @transform_2, window_bounds = array<i64: 1, 2560, 8>}, {transform_indices = @transform_3, window_bounds = array<i64: 1, 2560, 8>}, {pipeline_mode = #tpu.pipeline_mode<synchronous>, transform_indices = @transform_4, window_bounds = array<i64: 64, 40>}, {pipeline_mode = #tpu.pipeline_mode<synchronous>, transform_indices = @transform_5, window_bounds = array<i64: 1, 64>}, {transform_indices = @transform_6, window_bounds = array<i64: 2560, 40>}]} {
    %get3A = arith.constant 0 : index
    %get3A_0 = arith.constant 0 : index
    %get3A_1 = arith.constant 0 : index
    %get3A_2 = vector.load %arg3[%get3A, %get3A_0, %get3A_1] : memref<1x2560x8xf32, #tpu.memory_space<vmem>>, vector<1x2560x1xf32>
    %get3A_3 = vector.shape_cast %get3A_2 : vector<1x2560x1xf32> to vector<2560x1xf32>
    %get3A_4 = arith.constant 0 : index
    %get3A_5 = arith.constant 0 : index
    %get3A_6 = arith.constant 0 : index
    %get3A_7 = vector.load %arg4[%get3A_4, %get3A_5, %get3A_6] : memref<1x2560x8xf32, #tpu.memory_space<vmem>>, vector<1x2560x1xf32>
    %get3A_8 = vector.shape_cast %get3A_7 : vector<1x2560x1xf32> to vector<2560x1xf32>
    %add3A = arith.addf %get3A_3, %get3A_8 : vector<2560x1xf32>
    %add3A_9 = arith.constant 1.000000e+00 : f32
    %add3A_10 = vector.broadcast %add3A_9 : f32 to vector<2560x1xf32>
    %add3A_11 = arith.addf %add3A, %add3A_10 : vector<2560x1xf32>
    %rsqrt3A = math.rsqrt %add3A_11 : vector<2560x1xf32>
    %get3A_12 = arith.constant 0 : index
    %get3A_13 = arith.constant 0 : index
    %get3A_14 = arith.constant 0 : index
    %get3A_15 = vector.load %arg1[%get3A_12, %get3A_13, %get3A_14] : memref<1x2560x64xbf16, #tpu.memory_space<vmem>>, vector<1x2560x64xbf16>
    %get3A_16 = vector.shape_cast %get3A_15 : vector<1x2560x64xbf16> to vector<2560x64xbf16>
    %convert_element_type3A = arith.extf %get3A_16 : vector<2560x64xbf16> to vector<2560x64xf32>
    %get3A_17 = arith.constant 0 : index
    %get3A_18 = arith.constant 0 : index
    %get3A_19 = arith.constant 0 : index
    %get3A_20 = vector.load %arg2[%get3A_17, %get3A_18, %get3A_19] : memref<1x2560x64xbf16, #tpu.memory_space<vmem>>, vector<1x2560x64xbf16>
    %get3A_21 = vector.shape_cast %get3A_20 : vector<1x2560x64xbf16> to vector<2560x64xbf16>
    %convert_element_type3A_22 = arith.extf %get3A_21 : vector<2560x64xbf16> to vector<2560x64xf32>
    %add3A_23 = arith.addf %convert_element_type3A, %convert_element_type3A_22 : vector<2560x64xf32>
    %mul3A = vector.broadcast %rsqrt3A : vector<2560x1xf32> to vector<2560x64xf32>
    %mul3A_24 = arith.mulf %add3A_23, %mul3A : vector<2560x64xf32>
    %get3A_25 = arith.constant 0 : index
    %get3A_26 = arith.constant 0 : index
    %get3A_27 = vector.load %arg6[%get3A_25, %get3A_26] : memref<1x64xf32, #tpu.memory_space<vmem>>, vector<1x64xf32>
    %add3A_28 = vector.broadcast %get3A_27 : vector<1x64xf32> to vector<2560x64xf32>
    %add3A_29 = arith.addf %mul3A_24, %add3A_28 : vector<2560x64xf32>
    %max3A = arith.constant 0.000000e+00 : f32
    %max3A_30 = vector.broadcast %max3A : f32 to vector<2560x64xf32>
    %max3A_31 = arith.maximumf %add3A_29, %max3A_30 : vector<2560x64xf32>
    %mul3A_32 = arith.constant 2560 : i32
    %mul3A_33 = arith.muli %arg0, %mul3A_32 : i32
    %iota3A = tpu.iota {dimensions = array<i32: 0>} : vector<2560x1xi32>
    %add3A_34 = vector.broadcast %mul3A_33 : i32 to vector<2560x1xi32>
    %add3A_35 = arith.addi %add3A_34, %iota3A : vector<2560x1xi32>
    %lt3A = arith.constant 10000 : i32
    %lt3A_36 = vector.broadcast %lt3A : i32 to vector<2560x1xi32>
    %lt3A_37 = arith.cmpi slt, %add3A_35, %lt3A_36 : vector<2560x1xi32>
    %jit3A = arith.constant 0.000000e+00 : f32
    %broadcast_in_dim3A = vector.shape_cast %lt3A_37 : vector<2560x1xi1> to vector<2560x1xi1>
    %broadcast_in_dim3A_38 = vector.broadcast %broadcast_in_dim3A : vector<2560x1xi1> to vector<2560x64xi1>
    %broadcast_in_dim3A_39 = vector.broadcast %jit3A : f32 to vector<2560x64xf32>
    %select_n3A = arith.select %broadcast_in_dim3A_38, %max3A_31, %broadcast_in_dim3A_39 : vector<2560x64xi1>, vector<2560x64xf32>
    %get3A_40 = arith.constant 0 : index
    %get3A_41 = arith.constant 0 : index
    %get3A_42 = vector.load %arg5[%get3A_40, %get3A_41] : memref<64x40xf32, #tpu.memory_space<vmem>>, vector<64x40xf32>
    %dot_general3A = arith.constant dense<0.000000e+00> : vector<2560x40xf32>
    %dot_general3A_43 = tpu.matmul %select_n3A, %get3A_42, %dot_general3A {dimension_numbers = #tpu.dot_dimension_numbers<[1], [0], [0], [1], [0, 0, 1, 1], [], []>, transpose_lhs_hint = false} : vector<2560x64xf32>, vector<64x40xf32>, vector<2560x40xf32> -> vector<2560x40xf32>
    %mul3A_44 = vector.broadcast %rsqrt3A : vector<2560x1xf32> to vector<2560x40xf32>
    %mul3A_45 = arith.mulf %dot_general3A_43, %mul3A_44 : vector<2560x40xf32>
    %swap3A = arith.constant 0 : index
    %swap3A_46 = arith.constant 0 : index
    %swap3A_47 = vector.load %arg7[%swap3A, %swap3A_46] : memref<2560x40xf32, #tpu.memory_space<vmem>>, vector<2560x40xf32>
    tpu.vector_store %arg7[%swap3A, %swap3A_46], %mul3A_45 {strides = array<i32>} : memref<2560x40xf32, #tpu.memory_space<vmem>>, vector<2560x40xf32>,
    return
  }
  func.func @transform_0(%arg0: i32) -> (i32, i32, i32) {
    %c0_i32 = arith.constant 0 : i32
    %c0_i32_0 = arith.constant 0 : i32
    %c0_i32_1 = arith.constant 0 : i32
    return %c0_i32, %arg0, %c0_i32_0 : i32, i32, i32
  }
  func.func @transform_1(%arg0: i32) -> (i32, i32, i32) {
    %c1_i32 = arith.constant 1 : i32
    %c0_i32 = arith.constant 0 : i32
    %c0_i32_0 = arith.constant 0 : i32
    return %c1_i32, %arg0, %c0_i32 : i32, i32, i32
  }
  func.func @transform_2(%arg0: i32) -> (i32, i32, i32) {
    %c0_i32 = arith.constant 0 : i32
    %c0_i32_0 = arith.constant 0 : i32
    %c0_i32_1 = arith.constant 0 : i32
    return %c0_i32, %arg0, %c0_i32_0 : i32, i32, i32
  }
  func.func @transform_3(%arg0: i32) -> (i32, i32, i32) {
    %c1_i32 = arith.constant 1 : i32
    %c0_i32 = arith.constant 0 : i32
    %c0_i32_0 = arith.constant 0 : i32
    return %c1_i32, %arg0, %c0_i32 : i32, i32, i32
  }
  func.func @transform_4(%arg0: i32) -> (i32, i32) {
    %c0_i32 = arith.constant 0 : i32
    %c0_i32_0 = arith.constant 0 : i32
    %c0_i32_1 = arith.constant 0 : i32
    return %c0_i32, %c0_i32_0 : i32, i32
  }
  func.func @transform_5(%arg0: i32) -> (i32, i32) {
    %c0_i32 = arith.constant 0 : i32
    %c0_i32_0 = arith.constant 0 : i32
    %c0_i32_1 = arith.constant 0 : i32
    return %c0_i32, %c0_i32_0 : i32, i32
  }
  func.func @transform_6(%arg0: i32) -> (i32, i32) {
    %c0_i32 = arith.constant 0 : i32
    %c0_i32_0 = arith.constant 0 : i32
    return %arg0, %c0_i32 : i32, i32
  }
}

module attributes {stable_mosaic.version = 14 : i64} {
  func.func @_tc3_body(%arg0: i32, %arg1: memref<1x2000x40xf32, #tpu.memory_space<vmem>>, %arg2: memref<1x2000x40xf32, #tpu.memory_space<vmem>>, %arg3: memref<1x2000x8xf32, #tpu.memory_space<vmem>>, %arg4: memref<1x2000x8xf32, #tpu.memory_space<vmem>>, %arg5: memref<1x40xf32, #tpu.memory_space<vmem>>, %arg6: memref<2000x40xf32, #tpu.memory_space<vmem>>) attributes {dimension_semantics = [#tpu.dimension_semantics<arbitrary>], iteration_bounds = array<i64: 5>, scalar_prefetch = 0 : i64, scratch_operands = 0 : i64, tpu.core_type = #tpu.core_type<tc>, window_params = [{transform_indices = @transform_0, window_bounds = array<i64: 1, 2000, 40>}, {transform_indices = @transform_1, window_bounds = array<i64: 1, 2000, 40>}, {transform_indices = @transform_2, window_bounds = array<i64: 1, 2000, 8>}, {transform_indices = @transform_3, window_bounds = array<i64: 1, 2000, 8>}, {pipeline_mode = #tpu.pipeline_mode<synchronous>, transform_indices = @transform_4, window_bounds = array<i64: 1, 40>}, {transform_indices = @transform_5, window_bounds = array<i64: 2000, 40>}]} {
    %get3A = arith.constant 0 : index
    %get3A_0 = arith.constant 0 : index
    %get3A_1 = arith.constant 0 : index
    %get3A_2 = vector.load %arg3[%get3A, %get3A_0, %get3A_1] : memref<1x2000x8xf32, #tpu.memory_space<vmem>>, vector<1x2000x1xf32>
    %get3A_3 = vector.shape_cast %get3A_2 : vector<1x2000x1xf32> to vector<2000x1xf32>
    %get3A_4 = arith.constant 0 : index
    %get3A_5 = arith.constant 0 : index
    %get3A_6 = arith.constant 0 : index
    %get3A_7 = vector.load %arg4[%get3A_4, %get3A_5, %get3A_6] : memref<1x2000x8xf32, #tpu.memory_space<vmem>>, vector<1x2000x1xf32>
    %get3A_8 = vector.shape_cast %get3A_7 : vector<1x2000x1xf32> to vector<2000x1xf32>
    %add3A = arith.addf %get3A_3, %get3A_8 : vector<2000x1xf32>
    %add3A_9 = arith.constant 1.000000e+00 : f32
    %add3A_10 = vector.broadcast %add3A_9 : f32 to vector<2000x1xf32>
    %add3A_11 = arith.addf %add3A, %add3A_10 : vector<2000x1xf32>
    %rsqrt3A = math.rsqrt %add3A_11 : vector<2000x1xf32>
    %get3A_12 = arith.constant 0 : index
    %get3A_13 = arith.constant 0 : index
    %get3A_14 = arith.constant 0 : index
    %get3A_15 = vector.load %arg1[%get3A_12, %get3A_13, %get3A_14] : memref<1x2000x40xf32, #tpu.memory_space<vmem>>, vector<1x2000x40xf32>
    %get3A_16 = vector.shape_cast %get3A_15 : vector<1x2000x40xf32> to vector<2000x40xf32>
    %get3A_17 = arith.constant 0 : index
    %get3A_18 = arith.constant 0 : index
    %get3A_19 = arith.constant 0 : index
    %get3A_20 = vector.load %arg2[%get3A_17, %get3A_18, %get3A_19] : memref<1x2000x40xf32, #tpu.memory_space<vmem>>, vector<1x2000x40xf32>
    %get3A_21 = vector.shape_cast %get3A_20 : vector<1x2000x40xf32> to vector<2000x40xf32>
    %add3A_22 = arith.addf %get3A_16, %get3A_21 : vector<2000x40xf32>
    %mul3A = vector.broadcast %rsqrt3A : vector<2000x1xf32> to vector<2000x40xf32>
    %mul3A_23 = arith.mulf %add3A_22, %mul3A : vector<2000x40xf32>
    %get3A_24 = arith.constant 0 : index
    %get3A_25 = arith.constant 0 : index
    %get3A_26 = vector.load %arg5[%get3A_24, %get3A_25] : memref<1x40xf32, #tpu.memory_space<vmem>>, vector<1x40xf32>
    %add3A_27 = vector.broadcast %get3A_26 : vector<1x40xf32> to vector<2000x40xf32>
    %add3A_28 = arith.addf %mul3A_23, %add3A_27 : vector<2000x40xf32>
    %reduce_max3A = arith.constant dense<0xFF800000> : vector<2000xf32>
    %reduce_max3A_29 = vector.multi_reduction <maximumf>, %add3A_28, %reduce_max3A [1] : vector<2000x40xf32> to vector<2000xf32>
    %broadcast_in_dim3A = vector.shape_cast %reduce_max3A_29 : vector<2000xf32> to vector<2000x1xf32>
    %sub3A = vector.broadcast %broadcast_in_dim3A : vector<2000x1xf32> to vector<2000x40xf32>
    %sub3A_30 = arith.subf %add3A_28, %sub3A : vector<2000x40xf32>
    %exp3A = math.exp %sub3A_30 : vector<2000x40xf32>
    %reduce_sum3A = arith.constant dense<0.000000e+00> : vector<2000xf32>
    %reduce_sum3A_31 = vector.multi_reduction <add>, %exp3A, %reduce_sum3A [1] : vector<2000x40xf32> to vector<2000xf32>
    %broadcast_in_dim3A_32 = vector.shape_cast %reduce_sum3A_31 : vector<2000xf32> to vector<2000x1xf32>
    %sub3A_33 = vector.broadcast %broadcast_in_dim3A : vector<2000x1xf32> to vector<2000x40xf32>
    %sub3A_34 = arith.subf %add3A_28, %sub3A_33 : vector<2000x40xf32>
    %log3A = math.log %broadcast_in_dim3A_32 : vector<2000x1xf32>
    %sub3A_35 = vector.broadcast %log3A : vector<2000x1xf32> to vector<2000x40xf32>
    %sub3A_36 = arith.subf %sub3A_34, %sub3A_35 : vector<2000x40xf32>
    %swap3A = arith.constant 0 : index
    %swap3A_37 = arith.constant 0 : index
    %swap3A_38 = vector.load %arg6[%swap3A, %swap3A_37] : memref<2000x40xf32, #tpu.memory_space<vmem>>, vector<2000x40xf32>
    tpu.vector_store %arg6[%swap3A, %swap3A_37], %sub3A_36 {strides = array<i32>} : memref<2000x40xf32, #tpu.memory_space<vmem>>, vector<2000x40xf32>,
    return
  }
  func.func @transform_0(%arg0: i32) -> (i32, i32, i32) {
    %c0_i32 = arith.constant 0 : i32
    %c0_i32_0 = arith.constant 0 : i32
    %c0_i32_1 = arith.constant 0 : i32
    return %c0_i32, %arg0, %c0_i32_0 : i32, i32, i32
  }
  func.func @transform_1(%arg0: i32) -> (i32, i32, i32) {
    %c1_i32 = arith.constant 1 : i32
    %c0_i32 = arith.constant 0 : i32
    %c0_i32_0 = arith.constant 0 : i32
    return %c1_i32, %arg0, %c0_i32 : i32, i32, i32
  }
  func.func @transform_2(%arg0: i32) -> (i32, i32, i32) {
    %c0_i32 = arith.constant 0 : i32
    %c0_i32_0 = arith.constant 0 : i32
    %c0_i32_1 = arith.constant 0 : i32
    return %c0_i32, %arg0, %c0_i32_0 : i32, i32, i32
  }
  func.func @transform_3(%arg0: i32) -> (i32, i32, i32) {
    %c1_i32 = arith.constant 1 : i32
    %c0_i32 = arith.constant 0 : i32
    %c0_i32_0 = arith.constant 0 : i32
    return %c1_i32, %arg0, %c0_i32 : i32, i32, i32
  }
  func.func @transform_4(%arg0: i32) -> (i32, i32) {
    %c0_i32 = arith.constant 0 : i32
    %c0_i32_0 = arith.constant 0 : i32
    %c0_i32_1 = arith.constant 0 : i32
    return %c0_i32, %c0_i32_0 : i32, i32
  }
  func.func @transform_5(%arg0: i32) -> (i32, i32) {
    %c0_i32 = arith.constant 0 : i32
    %c0_i32_0 = arith.constant 0 : i32
    return %arg0, %c0_i32 : i32, i32
  }
}

</mosaic_0001>

<sc_bundles>
// kernel: kernel.11.cloned.1.call-start
scs
__scs_entry_jumppad:
0x0: {  	(pc) =	sbr.rel $0x88, $3  }
0x1: {  	(tag) =	ssettag $0x0;
	lr =	simm.s32 $0x1  }
0x2: {  	[smem:$0x3F9B] =	sst lr;
	_ =	strace $0xD0000000  }
0x3: {  	_ = 	snop  }
0x4: {  	_ = 	snop  }
0x5: {  	_ = 	snop  }
0x6: {  	_ = 	snop  }
0x7: {  	_ = 	snop  }
__scs_overlays_trampoline_lowered:
0x8: {  	[smem:$0x3FAA] =	sst s0  }
0x9: {  	[smem:$0x3FAB] =	sst s1  }
0xa: {  	[smem:$0x3FAC] =	sst s2  }
0xb: {  	[smem:$0x3FAD] =	sst s3  }
0xc: {  	[smem:$0x3FAE] =	sst s4  }
0xd: {  	[smem:$0x3FAF] =	sst s5  }
0xe: {  	[smem:$0x3FB0] =	sst s6  }
0xf: {  	[smem:$0x3FB1] =	sst s7  }
0x10: {  	[smem:$0x3FB2] =	sst s8  }
0x11: {  	[smem:$0x3FB3] =	sst s9;
	s0 =	simm.s32 @!p0 $0x0  }
0x12: {  	s1 =	sld [smem:$0x3F99];
	s0 =	simm.s32 @p0 $0x1  }
0x13: {  	[smem:$0x3FB4] =	sst s0;
	s0 =	simm.s32 @!p1 $0x0  }
0x14: {  	s2 =	sld [smem:$0x3F98];
	s0 =	simm.s32 @p1 $0x1  }
0x15: {  	[smem:$0x3FB5] =	sst s0;
	s0 =	simm.s32 @!p2 $0x0  }
0x16: {  	s3 =	sld [smem:$0x3FDB];
	s0 =	simm.s32 @p2 $0x1  }
0x17: {  	s4 =	simm.s32 $0x1BF5;
	[smem:$0x3FB7] =	sst s0  }
0x18: {  	s0 =	sld [smem:$0x3F9A];
	_ =	swait.ge [sflag:s4], $0x0  }
0x19: {  	s7 =	sld [smem:$0x3F9B]  }
0x1a: {  	s8 =	sadd.s32 $0xFFFFE003, lr  }
0x1b: {  	s9 =	sadd.s32 $0xFFFFFEF7, lr;
	s5 =	simm.s32 $0xFFFFFFFF;
	p2 =	slt.u32 s8, $0xFFFFF086  }
0x1c: {  	p1 =	slt.u32 s9, $0xF7A;
	s5 =	simm.s32 @!p2 $0x0  }
0x1d: {  	s5 =	simm.s32 @p1 $0x1;
	p0 =	seq.s32 s7, s2  }
0x1e: {  	s7 =	smul.u32 @!p0 $0xF7A, s2;
	p2 =	seq.s32 @!p0 s5, $0x0  }
0x1f: {  	s9 =	smul.u32 $0xF7A, s1;
	s8 =	simm.s32 @!p0 $0x1BF5;
	p2 =	por !p2, p0  }
0x20: {  	[sflag:s8] =	ssyncset.s32 @!p0 $0xFFFFF086;
	s6 =	sadd.s32 @!p0 s3, s7;
	s7 =	simm.s32 @!p0 $0x108  }
0x21: {  	s3 =	sadd.s32 s3, s9;
	s6 =	sadd.s32 @!p0 $0x88, s6;
	s7 =	simm.s32 @p2 $0x1082  }
0x22: {  	[simem:s7], [sflag:s8] =	dma.local @!p0 [hbm:s6], $0xF7A  }
0x23: {  	s9 =	sor.u32 $0xD0000000, s2;
	s6 =	simm.s32 $0x108;
	_ =	swait.ge @!p0 [sflag:s8], $0x0  }
0x24: {  	s3 =	sadd.s32 $0x88, s3;
	s6 =	simm.s32 @!p1 $0x1082;
	[sflag:s4] =	ssyncset.s32 $0xFFFFF086  }
0x25: {  	[simem:s6], [sflag:s4] =	dma.local [hbm:s3], $0xF7A  }
0x26: {  	[smem:$0x3F9B] =	sst s1;
	(tag) =	ssettag s2;
	_ =	strace s9  }
0x27: {  	s1 =	sld [smem:$0x3FAB]  }
0x28: {  	s2 =	sld [smem:$0x3FAC]  }
0x29: {  	s4 =	sld [smem:$0x3FAE]  }
0x2a: {  	p0 =	seq.s32 s5, $0x0;
	s5 =	sld [smem:$0x3FAF]  }
0x2b: {  	s6 =	sld [smem:$0x3FB0]  }
0x2c: {  	s7 =	sld [smem:$0x3FB1]  }
0x2d: {  	s3 =	simm.s32 $0x108;
	s8 =	sld [smem:$0x3FB2]  }
0x2e: {  	s3 =	simm.s32 @!p0 $0x1082;
	s9 =	sld [smem:$0x3FB3]  }
0x2f: {  	lr =	sadd.s32 s0, s3;
	s0 =	sld [smem:$0x3FAA]  }
0x30: {  	s3 =	sld [smem:$0x3FAD]  }
0x31: {  	[smem:$0x3FB6] =	sst s10  }
0x32: {  	s10 =	sld [smem:$0x3FB4];
	_ =	sdelay $0x3  }
0x33: {  	p0 =	seq.s32 s10, $0x1;
	s10 =	sld [smem:$0x3FB6];
	_ =	sdelay $0x3  }
0x34: {  	[smem:$0x3FB6] =	sst s10  }
0x35: {  	s10 =	sld [smem:$0x3FB5];
	_ =	sdelay $0x3  }
0x36: {  	p1 =	seq.s32 s10, $0x1;
	s10 =	sld [smem:$0x3FB6];
	_ =	sdelay $0x3  }
0x37: {  	[smem:$0x3FB6] =	sst s10  }
0x38: {  	s10 =	sld [smem:$0x3FB7]  }
0x39: {  	_ = 	snop;
	(pc) =	sbr.ind lr, $3  }
0x3a: {  	_ = 	snop  }
0x3b: {  	_ = 	snop  }
0x3c: {  	p2 =	seq.s32 s10, $0x1;
	s10 =	sld [smem:$0x3FB6]  }
0x3d: {  	_ =	shalt  }
0x3e: {  	_ =	shalt  }
0x3f: {  	_ =	shalt  }
0x40: {  	_ =	shalt  }
0x41: {  	_ =	shalt  }
0x42: {  	_ =	shalt  }
0x43: {  	_ =	shalt  }
0x44: {  	_ =	shalt  }
0x45: {  	_ =	shalt  }
0x46: {  	_ =	shalt  }
0x47: {  	_ =	shalt  }
0x48: {  	_ =	shalt  }
0x49: {  	_ =	shalt  }
0x4a: {  	_ =	shalt  }
0x4b: {  	_ =	shalt  }
0x4c: {  	_ =	shalt  }
0x4d: {  	_ =	shalt  }
0x4e: {  	_ =	shalt  }
0x4f: {  	_ =	shalt  }
0x50: {  	_ =	shalt  }
0x51: {  	_ =	shalt  }
0x52: {  	_ =	shalt  }
0x53: {  	_ =	shalt  }
0x54: {  	_ =	shalt  }
0x55: {  	_ =	shalt  }
0x56: {  	_ =	shalt  }
0x57: {  	_ =	shalt  }
0x58: {  	_ =	shalt  }
0x59: {  	_ =	shalt  }
0x5a: {  	_ =	shalt  }
0x5b: {  	_ =	shalt  }
0x5c: {  	_ =	shalt  }
0x5d: {  	_ =	shalt  }
0x5e: {  	_ =	shalt  }
0x5f: {  	_ =	shalt  }
0x60: {  	_ =	shalt  }
0x61: {  	_ =	shalt  }
0x62: {  	_ =	shalt  }
0x63: {  	_ =	shalt  }
0x64: {  	_ =	shalt  }
0x65: {  	_ =	shalt  }
0x66: {  	_ =	shalt  }
0x67: {  	_ =	shalt  }
0x68: {  	_ =	shalt  }
0x69: {  	_ =	shalt  }
0x6a: {  	_ =	shalt  }
0x6b: {  	_ =	shalt  }
0x6c: {  	_ =	shalt  }
0x6d: {  	_ =	shalt  }
0x6e: {  	_ =	shalt  }
0x6f: {  	_ =	shalt  }
0x70: {  	_ =	shalt  }
0x71: {  	_ =	shalt  }
0x72: {  	_ =	shalt  }
0x73: {  	_ =	shalt  }
0x74: {  	_ =	shalt  }
0x75: {  	_ =	shalt  }
0x76: {  	_ =	shalt  }
0x77: {  	_ =	shalt  }
0x78: {  	_ =	shalt  }
0x79: {  	_ =	shalt  }
0x7a: {  	_ =	shalt  }
0x7b: {  	_ =	shalt  }
0x7c: {  	_ =	shalt  }
0x7d: {  	_ =	shalt  }
0x7e: {  	_ =	shalt  }
0x7f: {  	_ =	shalt  }
0x80: {  	_ =	shalt  }
0x81: {  	_ =	shalt  }
0x82: {  	_ =	shalt  }
0x83: {  	_ =	shalt  }
0x84: {  	_ =	shalt  }
0x85: {  	_ =	shalt  }
0x86: {  	_ =	shalt  }
0x87: {  	_ =	shalt  }
.Lfunc_end0:
.L_simem_size_0:
called_computation.1_lowered:
.L_overlay_start_0:
0x88: {  	s2 =	sld [smem:$0x3FD9]  }
0x89: {  	s3 =	sld [smem:$0x3FFE];
	_ =	sdelay $0x1  }
0x8a: {  	s1 =	srdreg.scid  }
0x8b: {  	s0 =	sand.u32 $0x1, s1  }
0x8c: {  	s17 =	sshll.u32 s0, $0xA;
	s2 =	sadd.s32 s3, s2  }
0x8d: {  	s2 =	sadd.s32 s2, s17  }
0x8e: {  	[smem:$0x3FC2] =	sst s2  }
0x8f: {  	_ = 	snop  }
0x90: {  	s2 =	sld [smem:$0x3FD0];
	(tm) =	ssettm $0x1  }
0x91: {  	s18 =	sld [smem:$0x3FFB];
	_ =	sdelay $0x3  }
0x92: {  	_ =	strace s18  }
0x93: {  	s3 =	sld [smem:$0x3FFC];
	_ =	sdelay $0x3  }
0x94: {  	_ =	strace s3  }
0x95: {  	s3 =	sld [smem:$0x3FFD];
	_ =	sdelay $0x3  }
0x96: {  	_ =	strace s3  }
0x97: {  	_ =	strace $0x8FFFFFFF  }
0x98: {  	s19 =	sld [smem:$0x3FDB];
	_ =	sdelay $0x1  }
0x99: {  	s4 =	simm.s32 $_scs_section_size  }
0x9a: {  	s5 =	simm.s32 $_size__tile_overlayer_lowered;
	s6 =	simm.s32 $_tile_overlayer_lowered  }
0x9b: {  	s22 =	simm.s32 $0x1BFF;
	s21 =	sshll.u32 s6, $0x1;
	s3 =	sadd.s32 s4, s19  }
0x9c: {  	s7 =	simm.s32 $0x0;
	s20 =	sshll.u32 s5, $0x1;
	s5 =	sadd.s32 s21, s3  }
0x9d: {  	[timem:s7], [sflag:s22] =	dma.local [hbm:s5], s20  }
0x9e: {  	_ =	swait.ge [sflag:s22], s20  }
0x9f: {  	s4 =	ssub.s32 $0x0, s20;
	[sflag:s22] =	ssyncset.done $0x0  }
0xa0: {  	[sflag:s22] =	ssyncadd.s32 s4;
	_ =	sdelay $0x1  }
0xa1: {  	s23 =	simm.s32 $0x1B8B  }
0xa2: {  	_ =	swait.ge [sflag:s23], $0x1  }
0xa3: {  	[sflag:s23] =	ssyncset.done $0x0  }
0xa4: {  	s25 =	simm.s32 $0x1B8E;
	s24 =	sld [smem:$0x3FFE];
	[sflag:s23] =	ssyncadd.s32 $0xFFFFFFFF  }
0xa5: {  	s26 =	simm.s32 $execute0_lowered;
	[smem:$0x3FD2] =	sst s25  }
0xa6: {  	s5 =	sshll.u32 s26, $0x1;
	_ =	strace $0x80000049;
	[dreg:$0x1] =	wrdreg $0xFFFFFFFF  }
0xa7: {  	s28 =	simm.s32 $_size_execute0_lowered;
	s3 =	sadd.s32 s3, s5;
	[dreg:$0x0] =	wrdreg $0x0  }
0xa8: {  	s5 =	sshll.u32 s28, $0x1;
	[dreg:$0x2] =	wrdreg s3  }
0xa9: {  	[dreg:$0x3] =	wrdreg s5  }
0xaa: {  	[dreg:$0x4] =	wrdreg $0xC0  }
0xab: {  	_ =	task [dreg:s7], $0x5FFFF  }
0xac: {  	[dreg:$0x1] =	wrdreg $0xFFFFFFFF  }
0xad: {  	[dreg:$0x0] =	wrdreg $0x60  }
0xae: {  	[dreg:$0x2] =	wrdreg s24  }
0xaf: {  	[dreg:$0x3] =	wrdreg s2  }
0xb0: {  	[dreg:$0x4] =	wrdreg $0x70000  }
0xb1: {  	[dreg:$0x5] =	wrdreg $0xC0000  }
0xb2: {  	[dreg:$0x6] =	wrdreg $0x9  }
0xb3: {  	_ =	task.clear_ibuf [dreg:s7], $0x7FFFF;
	_ =	strace $0x90000049  }
0xb4: {  	s29 =	simm.s32 $0x9;
	_ =	strace $0x8000004B  }
0xb5: {  	_ =	swait.ge [sflag:s29], $0x1  }
0xb6: {  	[sflag:s29] =	ssyncadd.s32 $0xFFFFFFFF  }
0xb7: {  	_ =	strace $0x9000004B  }
0xb8: {  	_ =	sfence  }
0xb9: {  	s30 =	sld [smem:$0x0];
	_ =	sdelay $0x2  }
0xba: {  	s31 =	sshll.u32 s1, $0xD;
	s1 =	sshrl.u32 s1, $0x2  }
0xbb: {  	s3 =	sand.u32 $0x4000, s31;
	s1 =	sadd.s32 s1, s30  }
0xbc: {  	s0 =	sor.u32 s3, s0;
	s1 =	sshll.u32 s1, $0x11  }
0xbd: {  	s0 =	sor.u32 s1, s0  }
0xbe: {  	s0 =	sadd.s32 $0x8F2B, s0  }
0xbf: {  	[sflag:s0] =	ssyncadd.remote.s32 $0x1  }
0xc0: {  	_ =	sfence.sel $0xFFFF  }
0xc1: {  	[dreg:$0x0] =	wrdreg $0xFFFFFFFF;
	(pc) =	sbr.abs _section_cstart, $3  }
0xc2: {  	[dreg:$0x1] =	wrdreg $0xFFFFFFFF  }
0xc3: {  	_ =	task.clear_ibuf [dreg:s7], $0x2FFFF;
	_ =	strace $0x9FFFFFFF  }
0xc4: {  	(tm) =	ssettm $0x7FFFFFFF  }
0xc5: {  	_ =	shalt  }
tec
execute0_lowered:
.L_overlay_start_1:
0x0: {  	(tag) =	ssettag $0x1  }
0x1: {  	s6 =	rddreg [dreg:$0x0]  }
0x2: {  	s1 =	srdreg.scid;
	s0 =	rddreg [dreg:$0x1]  }
0x3: {  	s2 =	rddreg [dreg:$0x2];
	s25 =	stileid.u32  }
0x4: {  	s3 =	rddreg [dreg:$0x3];
	s4 =	simm.s32 $0x0;
	s13 =	simm.s32 $0x1C05  }
0x5: {  	s14 =	simm.s32 $0x80;
	s15 =	simm.s32 $0x5000;
	s16 =	simm.s32 $0x1  }
0x6: {  	s17 =	simm.s32 $0x100;
	s18 =	simm.s32 $0x6000;
	s19 =	simm.s32 $0x2  }
0x7: {  	s20 =	simm.s32 $0x180;
	s21 =	simm.s32 $0x3;
	s22 =	simm.s32 $0x200  }
0x8: {  	s23 =	simm.s32 $0x4;
	s26 =	simm.s32 $0x1C45;
	s28 =	simm.s32 $0x0  }
0x9: {  	s7 =	sand.u32 $0x1, s1;
	[smem:$0x7FF] =	sst s4;
	p0 =	seq.s32 s25, $0x0  }
0xa: {  	s12 =	sshrl.u32 s2, $0x3;
	p2 =	sne.s32 s25, $0x0;
	p3 =	sne.s32 s25, $0x1  }
0xb: {  	s1 =	sshll.u32 s7, $0x4;
	s8 =	smul.u32 $0xA000, s7;
	s31 =	ssub.s32 $0x2, s7  }
0xc: {  	p1 =	seq.s32 s7, $0x1;
	s7 =	sor.u32 s7, s25;
	s24 =	sshrl.u32 @!p2 s2, $0x3  }
0xd: {  	s5 =	sor.u32 s25, s1;
	s1 =	rddreg [dreg:$0x4];
	_ =	strace $0x8000004A  }
0xe: {  	s10 =	sshrl.u32 s31, $0x1;
	p0 =	por !p0, !p1;
	s5 =	smul.u32 $0xA00, s5  }
.Ltmp0:
0xf: {  	p1 =	sne.s32 s7, $0x0;
	s8 =	sadd.s32 s8, s6;
	(pc) =	sbr.rel .LBB2_1-.Ltmp0, $4  }
0x10: {  	s10 =	ssub.s32 s31, s10;
	p0 =	por !p0, !p0;
	s11 =	sshrl.u32 @!p1 s2, $0x3  }
0x11: {  	s7 =	sadd.s32 $0x72800, s8;
	s8 =	smax.u32 s10, $0x1;
	s10 =	sshll.u32 @!p1 s25, $0x6  }
0x12: {  	s25 =	sshrl.u32 s3, $0x3;
	s9 =	sadd.s32 s5, s6;
	s5 =	sadd.s32 $0x18800, s6  }
0x13: {  	s10 =	sor.u32 @!p1 $0x1C05, s10;
	s6 =	sadd.s32 $0x1E00, s9;
	s9 =	simm.s32 $0x5  }
.LBB2_9:
0x14: {  	_ =	swait.ge [sflag:s23], $0x1000  }
0x15: {  	[sflag:s23] =	ssyncset.done $0x0  }
0x16: {  	s28 =	sadd.s32 $0x1, s28;
	[sflag:s23] =	ssyncadd.s32 $0xFFFFF000  }
0x17: {  	s29 =	simm.s32 @!p2 $0x1C05;
	p4 =	sne.s32 s28, s8;
	[bflag:$0x0] =	sbarrier.arrive $0xFFFF  }
0x18: {  	[hbm:s7], [sflag:s29] =	dma.local @!p2 [spmem:s24], $0xA000  }
.Ltmp1:
0x19: {  	_ = 	snop;
	(pc) =	sbr.rel @!p4 .LBB2_10-.Ltmp1, $4  }
0x1a: {  	s29 =	simm.s32 @!p2 $0x5  }
0x1b: {  	_ =	swait.ge @!p2 [sflag:s29], $0xA000  }
0x1c: {  	[sflag:s29] =	ssyncset.done @!p2 $0x0  }
0x1d: {  	[sflag:s29] =	ssyncadd.s32 @!p2 $0xFFFF6000  }
.LBB2_1:
0x1e: {  	[tilespmem:s4], [sflag:$0x5] =	stream.linear.gather [hbm4b:s6+s4], $0x5000, $0x38;
	[tilespmem:$0x11000] =	vst v63  }
0x1f: {  	_ =	swait.ge [sflag:s9], $0x5000  }
0x20: {  	[sflag:s9] =	ssyncset.done $0x0  }
.Ltmp2:
0x21: {  	s29 =	simm.s32 @!p1 $0x5;
	[sflag:s9] =	ssyncadd.s32 $0xFFFFB000;
	(pc) =	sbr.rel @!p0 .LBB2_3-.Ltmp2, $4  }
0x22: {  	[spmem:s11], [sflag:s10] =	dma.local @!p1 [hbm:s0], $0xA000  }
0x23: {  	_ =	swait.ge @!p1 [sflag:s29], $0xA000  }
0x24: {  	[sflag:s29] =	ssyncset.done @!p1 $0x0  }
0x25: {  	[sflag:s29] =	ssyncadd.s32 @!p1 $0xFFFF6000  }
.Ltmp3:
0x26: {  	(pc) =	sbr.rel .LBB2_5-.Ltmp3, $2  }
0x27: {  	_ =	sdelay $0x2  }
0x28: {  	[spmem:s12], [sflag:s13] =	dma.local [hbm:s5], $0xA000  }
.LBB2_3:
.Ltmp4:
0x29: {  	(pc) =	sbr.rel @p3 .LBB2_6-.Ltmp4, $1  }
0x2a: {  	_ =	sdelay $0x3  }
0x2b: {  	[spmem:s25], [sflag:s26] =	dma.local [hbm:s0], $0xA000  }
.LBB2_5:
0x2c: {  	_ =	swait.ge [sflag:s9], $0xA000  }
0x2d: {  	[sflag:s9] =	ssyncset.done $0x0  }
0x2e: {  	[sflag:s9] =	ssyncadd.s32 $0xFFFF6000  }
.LBB2_6:
0x2f: {  	[bflag:$0x0] =	sbarrier.arrive $0xFFFF  }
0x30: {  	[tilespmem:s15], [sflag:$0x1] =	stream.indirect.gather [spmem:s3], $0x20, s4, s14, $0xb8;
	[tilespmem:$0x11000] =	vst v63  }
0x31: {  	_ =	swait.ge [sflag:s16], $0x1000  }
0x32: {  	[sflag:s16] =	ssyncset.done $0x0  }
0x33: {  	[sflag:s16] =	ssyncadd.s32 $0xFFFFF000  }
0x34: {  	[spmem:s2] =	stream.indirect.scatter.add.bf16 [tilespmem:s15], [sflag:$0x3], $0x20, s14, s14, $0xb8;
	[tilespmem:$0x11000] =	vst v63  }
0x35: {  	_ = 	snop  }
0x36: {  	[tilespmem:s18], [sflag:$0x2] =	stream.indirect.gather [spmem:s3], $0x20, s17, s14, $0xb8;
	[tilespmem:$0x11000] =	vst v63  }
0x37: {  	_ =	swait.ge [sflag:s19], $0x1000  }
0x38: {  	[sflag:s19] =	ssyncset.done $0x0  }
0x39: {  	[sflag:s19] =	ssyncadd.s32 $0xFFFFF000  }
0x3a: {  	[spmem:s2] =	stream.indirect.scatter.add.bf16 [tilespmem:s18], [sflag:$0x4], $0x20, s20, s14, $0xb8;
	[tilespmem:$0x11000] =	vst v63  }
0x3b: {  	_ =	swait.ge [sflag:s21], $0x1000  }
0x3c: {  	[sflag:s21] =	ssyncset.done $0x0  }
0x3d: {  	s29 =	simm.s32 $0xFFFED000;
	[sflag:s21] =	ssyncadd.s32 $0xFFFFF000  }
0x3e: {  	[tilespmem:s15], [sflag:$0x1] =	stream.indirect.gather [spmem:s3], $0x20, s22, s14, $0xb8;
	[tilespmem:$0x11000] =	vst v63  }
.LBB2_7:
0x3f: {  	_ =	swait.ge [sflag:s16], $0x1000  }
0x40: {  	s30 =	sshra.s32 s29, $0x2;
	[sflag:s16] =	ssyncset.done $0x0  }
0x41: {  	s31 =	sadd.s32 $0x4E80, s30;
	[sflag:s16] =	ssyncadd.s32 $0xFFFFF000  }
0x42: {  	[spmem:s2] =	stream.indirect.scatter.add.bf16 [tilespmem:s15], [sflag:$0x3], $0x20, s31, s14, $0xb8;
	[tilespmem:$0x11000] =	vst v63  }
0x43: {  	_ =	swait.ge [sflag:s23], $0x1000  }
0x44: {  	[sflag:s23] =	ssyncset.done $0x0  }
0x45: {  	s31 =	sadd.s32 $0x4F00, s30;
	[sflag:s23] =	ssyncadd.s32 $0xFFFFF000  }
0x46: {  	[tilespmem:s18], [sflag:$0x2] =	stream.indirect.gather [spmem:s3], $0x20, s31, s14, $0xb8;
	[tilespmem:$0x11000] =	vst v63  }
0x47: {  	_ =	swait.ge [sflag:s19], $0x1000  }
0x48: {  	p4 =	seq.s32 s29, $0x0;
	[sflag:s19] =	ssyncset.done $0x0  }
.Ltmp5:
0x49: {  	s31 =	sadd.s32 $0x4F80, s30;
	[sflag:s19] =	ssyncadd.s32 $0xFFFFF000;
	(pc) =	sbr.rel @p4 .LBB2_9-.Ltmp5, $4  }
0x4a: {  	[spmem:s2] =	stream.indirect.scatter.add.bf16 [tilespmem:s18], [sflag:$0x4], $0x20, s31, s14, $0xb8;
	[tilespmem:$0x11000] =	vst v63  }
0x4b: {  	_ =	swait.ge [sflag:s21], $0x1000  }
0x4c: {  	[sflag:s21] =	ssyncset.done $0x0  }
0x4d: {  	[sflag:s21] =	ssyncadd.s32 $0xFFFFF000  }
.Ltmp6:
0x4e: {  	(pc) =	sbr.rel .LBB2_7-.Ltmp6, $3  }
0x4f: {  	_ =	sdelay $0x1  }
0x50: {  	s30 =	sadd.s32 $0x5000, s30;
	s29 =	sadd.s32 $0x800, s29  }
0x51: {  	[tilespmem:s15], [sflag:$0x1] =	stream.indirect.gather [spmem:s3], $0x20, s30, s14, $0xb8;
	[tilespmem:$0x11000] =	vst v63  }
.LBB2_10:
0x52: {  	_ =	sfence.sel $0x180000  }
0x53: {  	[bflag:$0x0] =	sbarrier.arrive $0xFFFF  }
0x54: {  	_ =	strace $0x9000004A  }
0x55: {  	s0 =	sadd.s32 @!p2 $0x100000, s1;
	[bflag:$0x2] =	sbarrier.arrive $0xFFFF  }
0x56: {  	[sflag:s0] =	ssyncadd.tile.s32 @!p2 $0x1;
	_ =	shalt  }
.Lfunc_end2:
_tile_overlayer_lowered:
.L_overlay_start_2:
0x57: {  	(tag) =	ssettag $0x2  }
0x58: {  	s0 =	rddreg [dreg:$0x0];
	s2 =	stileid.u32  }
0x59: {  	s1 =	rddreg [dreg:$0x1];
	p0 =	sne.s32 s2, $0x0  }
0x5a: {  	s3 =	rddreg [dreg:$0x2];
	[bflag:$0x3] =	sbarrier.arrive $0xFFFF;
	s2 =	simm.s32 @!p0 $0x1C05  }
0x5b: {  	[timem:s3], [sflag:s2] =	dma.local @!p0 [hbm:s0], s1  }
0x5c: {  	s0 =	simm.s32 @!p0 $0x5  }
0x5d: {  	_ =	swait.ge @!p0 [sflag:s0], s1  }
0x5e: {  	s1 =	ssub.s32 @!p0 $0x0, s1;
	[sflag:s0] =	ssyncset.done @!p0 $0x0  }
0x5f: {  	[sflag:s0] =	ssyncadd.s32 @!p0 s1  }
0x60: {  	[bflag:$0x3] =	sbarrier.arrive $0xFFFF  }
0x61: {  	_ =	shalt  }

// kernel: kernel.14.cloned.1.call-start
scs
__scs_entry_jumppad:
0x0: {  	(pc) =	sbr.rel $0x88, $3  }
0x1: {  	(tag) =	ssettag $0x0;
	lr =	simm.s32 $0x1  }
0x2: {  	[smem:$0x3F9B] =	sst lr;
	_ =	strace $0xD0000000  }
0x3: {  	_ = 	snop  }
0x4: {  	_ = 	snop  }
0x5: {  	_ = 	snop  }
0x6: {  	_ = 	snop  }
0x7: {  	_ = 	snop  }
__scs_overlays_trampoline_lowered:
0x8: {  	[smem:$0x3FAA] =	sst s0  }
0x9: {  	[smem:$0x3FAB] =	sst s1  }
0xa: {  	[smem:$0x3FAC] =	sst s2  }
0xb: {  	[smem:$0x3FAD] =	sst s3  }
0xc: {  	[smem:$0x3FAE] =	sst s4  }
0xd: {  	[smem:$0x3FAF] =	sst s5  }
0xe: {  	[smem:$0x3FB0] =	sst s6  }
0xf: {  	[smem:$0x3FB1] =	sst s7  }
0x10: {  	[smem:$0x3FB2] =	sst s8  }
0x11: {  	[smem:$0x3FB3] =	sst s9;
	s0 =	simm.s32 @!p0 $0x0  }
0x12: {  	s1 =	sld [smem:$0x3F99];
	s0 =	simm.s32 @p0 $0x1  }
0x13: {  	[smem:$0x3FB4] =	sst s0;
	s0 =	simm.s32 @!p1 $0x0  }
0x14: {  	s2 =	sld [smem:$0x3F98];
	s0 =	simm.s32 @p1 $0x1  }
0x15: {  	[smem:$0x3FB5] =	sst s0;
	s0 =	simm.s32 @!p2 $0x0  }
0x16: {  	s3 =	sld [smem:$0x3FDB];
	s0 =	simm.s32 @p2 $0x1  }
0x17: {  	s4 =	simm.s32 $0x1BF5;
	[smem:$0x3FB7] =	sst s0  }
0x18: {  	s0 =	sld [smem:$0x3F9A];
	_ =	swait.ge [sflag:s4], $0x0  }
0x19: {  	s7 =	sld [smem:$0x3F9B]  }
0x1a: {  	s8 =	sadd.s32 $0xFFFFE003, lr  }
0x1b: {  	s9 =	sadd.s32 $0xFFFFFEF7, lr;
	s5 =	simm.s32 $0xFFFFFFFF;
	p2 =	slt.u32 s8, $0xFFFFF086  }
0x1c: {  	p1 =	slt.u32 s9, $0xF7A;
	s5 =	simm.s32 @!p2 $0x0  }
0x1d: {  	s5 =	simm.s32 @p1 $0x1;
	p0 =	seq.s32 s7, s2  }
0x1e: {  	s7 =	smul.u32 @!p0 $0xF7A, s2;
	p2 =	seq.s32 @!p0 s5, $0x0  }
0x1f: {  	s9 =	smul.u32 $0xF7A, s1;
	s8 =	simm.s32 @!p0 $0x1BF5;
	p2 =	por !p2, p0  }
0x20: {  	[sflag:s8] =	ssyncset.s32 @!p0 $0xFFFFF086;
	s6 =	sadd.s32 @!p0 s3, s7;
	s7 =	simm.s32 @!p0 $0x108  }
0x21: {  	s3 =	sadd.s32 s3, s9;
	s6 =	sadd.s32 @!p0 $0x88, s6;
	s7 =	simm.s32 @p2 $0x1082  }
0x22: {  	[simem:s7], [sflag:s8] =	dma.local @!p0 [hbm:s6], $0xF7A  }
0x23: {  	s9 =	sor.u32 $0xD0000000, s2;
	s6 =	simm.s32 $0x108;
	_ =	swait.ge @!p0 [sflag:s8], $0x0  }
0x24: {  	s3 =	sadd.s32 $0x88, s3;
	s6 =	simm.s32 @!p1 $0x1082;
	[sflag:s4] =	ssyncset.s32 $0xFFFFF086  }
0x25: {  	[simem:s6], [sflag:s4] =	dma.local [hbm:s3], $0xF7A  }
0x26: {  	[smem:$0x3F9B] =	sst s1;
	(tag) =	ssettag s2;
	_ =	strace s9  }
0x27: {  	s1 =	sld [smem:$0x3FAB]  }
0x28: {  	s2 =	sld [smem:$0x3FAC]  }
0x29: {  	s4 =	sld [smem:$0x3FAE]  }
0x2a: {  	p0 =	seq.s32 s5, $0x0;
	s5 =	sld [smem:$0x3FAF]  }
0x2b: {  	s6 =	sld [smem:$0x3FB0]  }
0x2c: {  	s7 =	sld [smem:$0x3FB1]  }
0x2d: {  	s3 =	simm.s32 $0x108;
	s8 =	sld [smem:$0x3FB2]  }
0x2e: {  	s3 =	simm.s32 @!p0 $0x1082;
	s9 =	sld [smem:$0x3FB3]  }
0x2f: {  	lr =	sadd.s32 s0, s3;
	s0 =	sld [smem:$0x3FAA]  }
0x30: {  	s3 =	sld [smem:$0x3FAD]  }
0x31: {  	[smem:$0x3FB6] =	sst s10  }
0x32: {  	s10 =	sld [smem:$0x3FB4];
	_ =	sdelay $0x3  }
0x33: {  	p0 =	seq.s32 s10, $0x1;
	s10 =	sld [smem:$0x3FB6];
	_ =	sdelay $0x3  }
0x34: {  	[smem:$0x3FB6] =	sst s10  }
0x35: {  	s10 =	sld [smem:$0x3FB5];
	_ =	sdelay $0x3  }
0x36: {  	p1 =	seq.s32 s10, $0x1;
	s10 =	sld [smem:$0x3FB6];
	_ =	sdelay $0x3  }
0x37: {  	[smem:$0x3FB6] =	sst s10  }
0x38: {  	s10 =	sld [smem:$0x3FB7]  }
0x39: {  	_ = 	snop;
	(pc) =	sbr.ind lr, $3  }
0x3a: {  	_ = 	snop  }
0x3b: {  	_ = 	snop  }
0x3c: {  	p2 =	seq.s32 s10, $0x1;
	s10 =	sld [smem:$0x3FB6]  }
0x3d: {  	_ =	shalt  }
0x3e: {  	_ =	shalt  }
0x3f: {  	_ =	shalt  }
0x40: {  	_ =	shalt  }
0x41: {  	_ =	shalt  }
0x42: {  	_ =	shalt  }
0x43: {  	_ =	shalt  }
0x44: {  	_ =	shalt  }
0x45: {  	_ =	shalt  }
0x46: {  	_ =	shalt  }
0x47: {  	_ =	shalt  }
0x48: {  	_ =	shalt  }
0x49: {  	_ =	shalt  }
0x4a: {  	_ =	shalt  }
0x4b: {  	_ =	shalt  }
0x4c: {  	_ =	shalt  }
0x4d: {  	_ =	shalt  }
0x4e: {  	_ =	shalt  }
0x4f: {  	_ =	shalt  }
0x50: {  	_ =	shalt  }
0x51: {  	_ =	shalt  }
0x52: {  	_ =	shalt  }
0x53: {  	_ =	shalt  }
0x54: {  	_ =	shalt  }
0x55: {  	_ =	shalt  }
0x56: {  	_ =	shalt  }
0x57: {  	_ =	shalt  }
0x58: {  	_ =	shalt  }
0x59: {  	_ =	shalt  }
0x5a: {  	_ =	shalt  }
0x5b: {  	_ =	shalt  }
0x5c: {  	_ =	shalt  }
0x5d: {  	_ =	shalt  }
0x5e: {  	_ =	shalt  }
0x5f: {  	_ =	shalt  }
0x60: {  	_ =	shalt  }
0x61: {  	_ =	shalt  }
0x62: {  	_ =	shalt  }
0x63: {  	_ =	shalt  }
0x64: {  	_ =	shalt  }
0x65: {  	_ =	shalt  }
0x66: {  	_ =	shalt  }
0x67: {  	_ =	shalt  }
0x68: {  	_ =	shalt  }
0x69: {  	_ =	shalt  }
0x6a: {  	_ =	shalt  }
0x6b: {  	_ =	shalt  }
0x6c: {  	_ =	shalt  }
0x6d: {  	_ =	shalt  }
0x6e: {  	_ =	shalt  }
0x6f: {  	_ =	shalt  }
0x70: {  	_ =	shalt  }
0x71: {  	_ =	shalt  }
0x72: {  	_ =	shalt  }
0x73: {  	_ =	shalt  }
0x74: {  	_ =	shalt  }
0x75: {  	_ =	shalt  }
0x76: {  	_ =	shalt  }
0x77: {  	_ =	shalt  }
0x78: {  	_ =	shalt  }
0x79: {  	_ =	shalt  }
0x7a: {  	_ =	shalt  }
0x7b: {  	_ =	shalt  }
0x7c: {  	_ =	shalt  }
0x7d: {  	_ =	shalt  }
0x7e: {  	_ =	shalt  }
0x7f: {  	_ =	shalt  }
0x80: {  	_ =	shalt  }
0x81: {  	_ =	shalt  }
0x82: {  	_ =	shalt  }
0x83: {  	_ =	shalt  }
0x84: {  	_ =	shalt  }
0x85: {  	_ =	shalt  }
0x86: {  	_ =	shalt  }
0x87: {  	_ =	shalt  }
.Lfunc_end0:
.L_simem_size_0:
called_computation.2_lowered:
.L_overlay_start_0:
0x88: {  	s2 =	sld [smem:$0x3FD9]  }
0x89: {  	s3 =	sld [smem:$0x3FFE];
	_ =	sdelay $0x1  }
0x8a: {  	s1 =	srdreg.scid  }
0x8b: {  	s0 =	sand.u32 $0x1, s1  }
0x8c: {  	s16 =	sshll.u32 s0, $0xA;
	s2 =	sadd.s32 s3, s2  }
0x8d: {  	s2 =	sadd.s32 s2, s16  }
0x8e: {  	[smem:$0x3FC2] =	sst s2  }
0x8f: {  	_ = 	snop  }
0x90: {  	(tm) =	ssettm $0x1  }
0x91: {  	s17 =	sld [smem:$0x3FFB];
	_ =	sdelay $0x3  }
0x92: {  	_ =	strace s17  }
0x93: {  	s2 =	sld [smem:$0x3FFC];
	_ =	sdelay $0x3  }
0x94: {  	_ =	strace s2  }
0x95: {  	s2 =	sld [smem:$0x3FFD];
	_ =	sdelay $0x3  }
0x96: {  	_ =	strace s2  }
0x97: {  	_ =	strace $0x8FFFFFFF  }
0x98: {  	s18 =	sld [smem:$0x3FDB];
	_ =	sdelay $0x1  }
0x99: {  	s19 =	simm.s32 $_scs_section_size  }
0x9a: {  	s4 =	simm.s32 $_size__tile_overlayer_lowered;
	s5 =	simm.s32 $_tile_overlayer_lowered  }
0x9b: {  	s22 =	simm.s32 $0x1BFF;
	s21 =	sshll.u32 s5, $0x1;
	s2 =	sadd.s32 s19, s18  }
0x9c: {  	s6 =	simm.s32 $0x0;
	s20 =	sshll.u32 s4, $0x1;
	s4 =	sadd.s32 s21, s2  }
0x9d: {  	[timem:s6], [sflag:s22] =	dma.local [hbm:s4], s20  }
0x9e: {  	_ =	swait.ge [sflag:s22], s20  }
0x9f: {  	s3 =	ssub.s32 $0x0, s20;
	[sflag:s22] =	ssyncset.done $0x0  }
0xa0: {  	[sflag:s22] =	ssyncadd.s32 s3;
	_ =	sdelay $0x1  }
0xa1: {  	s23 =	simm.s32 $0x1B8B  }
0xa2: {  	_ =	swait.ge [sflag:s23], $0x1  }
0xa3: {  	[sflag:s23] =	ssyncset.done $0x0  }
0xa4: {  	s25 =	simm.s32 $0x1B8E;
	s24 =	sld [smem:$0x3FFE];
	[sflag:s23] =	ssyncadd.s32 $0xFFFFFFFF  }
0xa5: {  	s26 =	simm.s32 $execute0_lowered;
	[smem:$0x3FD2] =	sst s25  }
0xa6: {  	s4 =	sshll.u32 s26, $0x1;
	_ =	strace $0x8000004C;
	[dreg:$0x1] =	wrdreg $0xFFFFFFFF  }
0xa7: {  	s28 =	simm.s32 $_size_execute0_lowered;
	s2 =	sadd.s32 s2, s4;
	[dreg:$0x0] =	wrdreg $0x0  }
0xa8: {  	s4 =	sshll.u32 s28, $0x1;
	[dreg:$0x2] =	wrdreg s2  }
0xa9: {  	[dreg:$0x3] =	wrdreg s4  }
0xaa: {  	[dreg:$0x4] =	wrdreg $0xC0  }
0xab: {  	_ =	task [dreg:s6], $0x5FFFF  }
0xac: {  	[dreg:$0x1] =	wrdreg $0xFFFFFFFF  }
0xad: {  	[dreg:$0x0] =	wrdreg $0x60  }
0xae: {  	[dreg:$0x2] =	wrdreg s24  }
0xaf: {  	[dreg:$0x3] =	wrdreg $0x78000  }
0xb0: {  	[dreg:$0x4] =	wrdreg $0xDC000  }
0xb1: {  	[dreg:$0x5] =	wrdreg $0x9  }
0xb2: {  	_ =	task.clear_ibuf [dreg:s6], $0x6FFFF;
	_ =	strace $0x9000004C  }
0xb3: {  	s29 =	simm.s32 $0x9;
	_ =	strace $0x8000004E  }
0xb4: {  	_ =	swait.ge [sflag:s29], $0x1  }
0xb5: {  	[sflag:s29] =	ssyncadd.s32 $0xFFFFFFFF  }
0xb6: {  	_ =	strace $0x9000004E  }
0xb7: {  	_ =	sfence  }
0xb8: {  	s30 =	sld [smem:$0x0];
	_ =	sdelay $0x2  }
0xb9: {  	s31 =	sshll.u32 s1, $0xD;
	s1 =	sshrl.u32 s1, $0x2  }
0xba: {  	s3 =	sand.u32 $0x4000, s31;
	s1 =	sadd.s32 s1, s30  }
0xbb: {  	s0 =	sor.u32 s3, s0;
	s1 =	sshll.u32 s1, $0x11  }
0xbc: {  	s0 =	sor.u32 s1, s0  }
0xbd: {  	s0 =	sadd.s32 $0x8F2B, s0  }
0xbe: {  	[sflag:s0] =	ssyncadd.remote.s32 $0x1  }
0xbf: {  	_ =	sfence.sel $0xFFFF  }
0xc0: {  	[dreg:$0x0] =	wrdreg $0xFFFFFFFF;
	(pc) =	sbr.abs _section_cstart, $3  }
0xc1: {  	[dreg:$0x1] =	wrdreg $0xFFFFFFFF  }
0xc2: {  	_ =	task.clear_ibuf [dreg:s6], $0x2FFFF;
	_ =	strace $0x9FFFFFFF  }
0xc3: {  	(tm) =	ssettm $0x7FFFFFFF  }
tec
execute0_lowered:
.L_overlay_start_1:
0x0: {  	(tag) =	ssettag $0x1  }
0x1: {  	s6 =	rddreg [dreg:$0x0]  }
0x2: {  	s0 =	srdreg.scid;
	s1 =	rddreg [dreg:$0x1]  }
0x3: {  	s25 =	stileid.u32;
	s2 =	rddreg [dreg:$0x2]  }
0x4: {  	s3 =	simm.s32 $0x0;
	s13 =	simm.s32 $0x1C05;
	s14 =	simm.s32 $0x80  }
0x5: {  	s15 =	simm.s32 $0x5000;
	s16 =	simm.s32 $0x1;
	s17 =	simm.s32 $0x100  }
0x6: {  	s18 =	simm.s32 $0x6400;
	s19 =	simm.s32 $0x2;
	s20 =	simm.s32 $0x180  }
0x7: {  	s21 =	simm.s32 $0x3;
	s22 =	simm.s32 $0x200;
	s23 =	simm.s32 $0x4  }
0x8: {  	s26 =	simm.s32 $0x1C45;
	s28 =	simm.s32 $0x0;
	s7 =	sand.u32 $0x1, s0  }
0x9: {  	[smem:$0x7FF] =	sst s3;
	s5 =	sadd.s32 $0x72800, s6;
	p0 =	seq.s32 s25, $0x0  }
0xa: {  	s12 =	sshrl.u32 s1, $0x3;
	p2 =	sne.s32 s25, $0x0;
	p3 =	sne.s32 s25, $0x1  }
0xb: {  	s0 =	sshll.u32 s7, $0x4;
	s8 =	smul.u32 $0xC800, s7;
	s31 =	ssub.s32 $0x2, s7  }
0xc: {  	p1 =	seq.s32 s7, $0x1;
	s7 =	sor.u32 s7, s25;
	s24 =	sshrl.u32 @!p2 s1, $0x3  }
0xd: {  	s4 =	sor.u32 s25, s0;
	s0 =	rddreg [dreg:$0x3];
	_ =	strace $0x8000004D  }
0xe: {  	s10 =	sshrl.u32 s31, $0x1;
	p0 =	por !p0, !p1;
	s4 =	smul.u32 $0xA00, s4  }
.Ltmp0:
0xf: {  	p1 =	sne.s32 s7, $0x0;
	s8 =	sadd.s32 s8, s6;
	(pc) =	sbr.rel .LBB2_1-.Ltmp0, $4  }
0x10: {  	s10 =	ssub.s32 s31, s10;
	p0 =	por !p0, !p0;
	s11 =	sshrl.u32 @!p1 s1, $0x3  }
0x11: {  	s7 =	sadd.s32 $0x7F000, s8;
	s8 =	smax.u32 s10, $0x1;
	s10 =	sshll.u32 @!p1 s25, $0x6  }
0x12: {  	s25 =	sshrl.u32 s2, $0x3;
	s9 =	sadd.s32 s4, s6;
	s4 =	sadd.s32 $0x15E00, s6  }
0x13: {  	s10 =	sor.u32 @!p1 $0x1C05, s10;
	s6 =	sadd.s32 $0x1E00, s9;
	s9 =	simm.s32 $0x5  }
.LBB2_9:
0x14: {  	_ =	swait.ge [sflag:s23], $0x1400  }
0x15: {  	[sflag:s23] =	ssyncset.done $0x0  }
0x16: {  	s28 =	sadd.s32 $0x1, s28;
	[sflag:s23] =	ssyncadd.s32 $0xFFFFEC00  }
0x17: {  	s29 =	simm.s32 @!p2 $0x1C05;
	p4 =	sne.s32 s28, s8;
	[bflag:$0x0] =	sbarrier.arrive $0xFFFF  }
0x18: {  	[hbm:s7], [sflag:s29] =	dma.local @!p2 [spmem:s24], $0xC800  }
.Ltmp1:
0x19: {  	_ = 	snop;
	(pc) =	sbr.rel @!p4 .LBB2_10-.Ltmp1, $4  }
0x1a: {  	s29 =	simm.s32 @!p2 $0x5  }
0x1b: {  	_ =	swait.ge @!p2 [sflag:s29], $0xC800  }
0x1c: {  	[sflag:s29] =	ssyncset.done @!p2 $0x0  }
0x1d: {  	[sflag:s29] =	ssyncadd.s32 @!p2 $0xFFFF3800  }
.LBB2_1:
0x1e: {  	[tilespmem:s3], [sflag:$0x5] =	stream.linear.gather [hbm4b:s6+s3], $0x5000, $0x38;
	[tilespmem:$0x14000] =	vst v63  }
0x1f: {  	_ =	swait.ge [sflag:s9], $0x5000  }
0x20: {  	[sflag:s9] =	ssyncset.done $0x0  }
.Ltmp2:
0x21: {  	s29 =	simm.s32 @!p1 $0x5;
	[sflag:s9] =	ssyncadd.s32 $0xFFFFB000;
	(pc) =	sbr.rel @!p0 .LBB2_3-.Ltmp2, $4  }
0x22: {  	[spmem:s11], [sflag:s10] =	dma.local @!p1 [hbm:s4], $0xC800  }
0x23: {  	_ =	swait.ge @!p1 [sflag:s29], $0xC800  }
0x24: {  	[sflag:s29] =	ssyncset.done @!p1 $0x0  }
0x25: {  	[sflag:s29] =	ssyncadd.s32 @!p1 $0xFFFF3800  }
.Ltmp3:
0x26: {  	(pc) =	sbr.rel .LBB2_5-.Ltmp3, $2  }
0x27: {  	_ =	sdelay $0x2  }
0x28: {  	[spmem:s12], [sflag:s13] =	dma.local [hbm:s5], $0xC800  }
.LBB2_3:
.Ltmp4:
0x29: {  	(pc) =	sbr.rel @p3 .LBB2_6-.Ltmp4, $1  }
0x2a: {  	_ =	sdelay $0x3  }
0x2b: {  	[spmem:s25], [sflag:s26] =	dma.local [hbm:s4], $0xC800  }
.LBB2_5:
0x2c: {  	_ =	swait.ge [sflag:s9], $0xC800  }
0x2d: {  	[sflag:s9] =	ssyncset.done $0x0  }
0x2e: {  	[sflag:s9] =	ssyncadd.s32 $0xFFFF3800  }
.LBB2_6:
0x2f: {  	[bflag:$0x0] =	sbarrier.arrive $0xFFFF  }
0x30: {  	[tilespmem:s15], [sflag:$0x1] =	stream.indirect.gather [spmem:s2], $0x28, s3, s14, $0xb8;
	[tilespmem:$0x14000] =	vst v63  }
0x31: {  	_ =	swait.ge [sflag:s16], $0x1400  }
0x32: {  	[sflag:s16] =	ssyncset.done $0x0  }
0x33: {  	[sflag:s16] =	ssyncadd.s32 $0xFFFFEC00  }
0x34: {  	[spmem:s1] =	stream.indirect.scatter.add.f32 [tilespmem:s15], [sflag:$0x3], $0x28, s14, s14, $0xb8;
	[tilespmem:$0x14000] =	vst v63  }
0x35: {  	_ = 	snop  }
0x36: {  	[tilespmem:s18], [sflag:$0x2] =	stream.indirect.gather [spmem:s2], $0x28, s17, s14, $0xb8;
	[tilespmem:$0x14000] =	vst v63  }
0x37: {  	_ =	swait.ge [sflag:s19], $0x1400  }
0x38: {  	[sflag:s19] =	ssyncset.done $0x0  }
0x39: {  	[sflag:s19] =	ssyncadd.s32 $0xFFFFEC00  }
0x3a: {  	[spmem:s1] =	stream.indirect.scatter.add.f32 [tilespmem:s18], [sflag:$0x4], $0x28, s20, s14, $0xb8;
	[tilespmem:$0x14000] =	vst v63  }
0x3b: {  	_ =	swait.ge [sflag:s21], $0x1400  }
0x3c: {  	[sflag:s21] =	ssyncset.done $0x0  }
0x3d: {  	s29 =	simm.s32 $0xFFFED000;
	[sflag:s21] =	ssyncadd.s32 $0xFFFFEC00  }
0x3e: {  	[tilespmem:s15], [sflag:$0x1] =	stream.indirect.gather [spmem:s2], $0x28, s22, s14, $0xb8;
	[tilespmem:$0x14000] =	vst v63  }
.LBB2_7:
0x3f: {  	_ =	swait.ge [sflag:s16], $0x1400  }
0x40: {  	s30 =	sshra.s32 s29, $0x2;
	[sflag:s16] =	ssyncset.done $0x0  }
0x41: {  	s31 =	sadd.s32 $0x4E80, s30;
	[sflag:s16] =	ssyncadd.s32 $0xFFFFEC00  }
0x42: {  	[spmem:s1] =	stream.indirect.scatter.add.f32 [tilespmem:s15], [sflag:$0x3], $0x28, s31, s14, $0xb8;
	[tilespmem:$0x14000] =	vst v63  }
0x43: {  	_ =	swait.ge [sflag:s23], $0x1400  }
0x44: {  	[sflag:s23] =	ssyncset.done $0x0  }
0x45: {  	s31 =	sadd.s32 $0x4F00, s30;
	[sflag:s23] =	ssyncadd.s32 $0xFFFFEC00  }
0x46: {  	[tilespmem:s18], [sflag:$0x2] =	stream.indirect.gather [spmem:s2], $0x28, s31, s14, $0xb8;
	[tilespmem:$0x14000] =	vst v63  }
0x47: {  	_ =	swait.ge [sflag:s19], $0x1400  }
0x48: {  	p4 =	seq.s32 s29, $0x0;
	[sflag:s19] =	ssyncset.done $0x0  }
.Ltmp5:
0x49: {  	s31 =	sadd.s32 $0x4F80, s30;
	[sflag:s19] =	ssyncadd.s32 $0xFFFFEC00;
	(pc) =	sbr.rel @p4 .LBB2_9-.Ltmp5, $4  }
0x4a: {  	[spmem:s1] =	stream.indirect.scatter.add.f32 [tilespmem:s18], [sflag:$0x4], $0x28, s31, s14, $0xb8;
	[tilespmem:$0x14000] =	vst v63  }
0x4b: {  	_ =	swait.ge [sflag:s21], $0x1400  }
0x4c: {  	[sflag:s21] =	ssyncset.done $0x0  }
0x4d: {  	[sflag:s21] =	ssyncadd.s32 $0xFFFFEC00  }
.Ltmp6:
0x4e: {  	(pc) =	sbr.rel .LBB2_7-.Ltmp6, $3  }
0x4f: {  	_ =	sdelay $0x1  }
0x50: {  	s30 =	sadd.s32 $0x5000, s30;
	s29 =	sadd.s32 $0x800, s29  }
0x51: {  	[tilespmem:s15], [sflag:$0x1] =	stream.indirect.gather [spmem:s2], $0x28, s30, s14, $0xb8;
	[tilespmem:$0x14000] =	vst v63  }
.LBB2_10:
0x52: {  	_ =	sfence.sel $0x180000  }
0x53: {  	[bflag:$0x0] =	sbarrier.arrive $0xFFFF  }
0x54: {  	_ =	strace $0x9000004D  }
0x55: {  	s0 =	sadd.s32 @!p2 $0x100000, s0;
	[bflag:$0x2] =	sbarrier.arrive $0xFFFF  }
0x56: {  	[sflag:s0] =	ssyncadd.tile.s32 @!p2 $0x1;
	_ =	shalt  }
.Lfunc_end2:
_tile_overlayer_lowered:
.L_overlay_start_2:
0x57: {  	(tag) =	ssettag $0x2  }
0x58: {  	s0 =	rddreg [dreg:$0x0];
	s2 =	stileid.u32  }
0x59: {  	s1 =	rddreg [dreg:$0x1];
	p0 =	sne.s32 s2, $0x0  }
0x5a: {  	s3 =	rddreg [dreg:$0x2];
	[bflag:$0x3] =	sbarrier.arrive $0xFFFF;
	s2 =	simm.s32 @!p0 $0x1C05  }
0x5b: {  	[timem:s3], [sflag:s2] =	dma.local @!p0 [hbm:s0], s1  }
0x5c: {  	s0 =	simm.s32 @!p0 $0x5  }
0x5d: {  	_ =	swait.ge @!p0 [sflag:s0], s1  }
0x5e: {  	s1 =	ssub.s32 @!p0 $0x0, s1;
	[sflag:s0] =	ssyncset.done @!p0 $0x0  }
0x5f: {  	[sflag:s0] =	ssyncadd.s32 @!p0 s1  }
0x60: {  	[bflag:$0x3] =	sbarrier.arrive $0xFFFF  }
0x61: {  	_ =	shalt  }

// kernel: kernel.8.cloned.1.call-start
scs
__scs_entry_jumppad:
0x0: {  	(pc) =	sbr.rel $0x88, $3  }
0x1: {  	(tag) =	ssettag $0x0;
	lr =	simm.s32 $0x1  }
0x2: {  	[smem:$0x3F9B] =	sst lr;
	_ =	strace $0xD0000000  }
0x3: {  	_ = 	snop  }
0x4: {  	_ = 	snop  }
0x5: {  	_ = 	snop  }
0x6: {  	_ = 	snop  }
0x7: {  	_ = 	snop  }
__scs_overlays_trampoline_lowered:
0x8: {  	[smem:$0x3FAA] =	sst s0  }
0x9: {  	[smem:$0x3FAB] =	sst s1  }
0xa: {  	[smem:$0x3FAC] =	sst s2  }
0xb: {  	[smem:$0x3FAD] =	sst s3  }
0xc: {  	[smem:$0x3FAE] =	sst s4  }
0xd: {  	[smem:$0x3FAF] =	sst s5  }
0xe: {  	[smem:$0x3FB0] =	sst s6  }
0xf: {  	[smem:$0x3FB1] =	sst s7  }
0x10: {  	[smem:$0x3FB2] =	sst s8  }
0x11: {  	[smem:$0x3FB3] =	sst s9;
	s0 =	simm.s32 @!p0 $0x0  }
0x12: {  	s1 =	sld [smem:$0x3F99];
	s0 =	simm.s32 @p0 $0x1  }
0x13: {  	[smem:$0x3FB4] =	sst s0;
	s0 =	simm.s32 @!p1 $0x0  }
0x14: {  	s2 =	sld [smem:$0x3F98];
	s0 =	simm.s32 @p1 $0x1  }
0x15: {  	[smem:$0x3FB5] =	sst s0;
	s0 =	simm.s32 @!p2 $0x0  }
0x16: {  	s3 =	sld [smem:$0x3FDB];
	s0 =	simm.s32 @p2 $0x1  }
0x17: {  	s4 =	simm.s32 $0x1BF5;
	[smem:$0x3FB7] =	sst s0  }
0x18: {  	s0 =	sld [smem:$0x3F9A];
	_ =	swait.ge [sflag:s4], $0x0  }
0x19: {  	s7 =	sld [smem:$0x3F9B]  }
0x1a: {  	s8 =	sadd.s32 $0xFFFFE003, lr  }
0x1b: {  	s9 =	sadd.s32 $0xFFFFFEF7, lr;
	s5 =	simm.s32 $0xFFFFFFFF;
	p2 =	slt.u32 s8, $0xFFFFF086  }
0x1c: {  	p1 =	slt.u32 s9, $0xF7A;
	s5 =	simm.s32 @!p2 $0x0  }
0x1d: {  	s5 =	simm.s32 @p1 $0x1;
	p0 =	seq.s32 s7, s2  }
0x1e: {  	s7 =	smul.u32 @!p0 $0xF7A, s2;
	p2 =	seq.s32 @!p0 s5, $0x0  }
0x1f: {  	s9 =	smul.u32 $0xF7A, s1;
	s8 =	simm.s32 @!p0 $0x1BF5;
	p2 =	por !p2, p0  }
0x20: {  	[sflag:s8] =	ssyncset.s32 @!p0 $0xFFFFF086;
	s6 =	sadd.s32 @!p0 s3, s7;
	s7 =	simm.s32 @!p0 $0x108  }
0x21: {  	s3 =	sadd.s32 s3, s9;
	s6 =	sadd.s32 @!p0 $0x88, s6;
	s7 =	simm.s32 @p2 $0x1082  }
0x22: {  	[simem:s7], [sflag:s8] =	dma.local @!p0 [hbm:s6], $0xF7A  }
0x23: {  	s9 =	sor.u32 $0xD0000000, s2;
	s6 =	simm.s32 $0x108;
	_ =	swait.ge @!p0 [sflag:s8], $0x0  }
0x24: {  	s3 =	sadd.s32 $0x88, s3;
	s6 =	simm.s32 @!p1 $0x1082;
	[sflag:s4] =	ssyncset.s32 $0xFFFFF086  }
0x25: {  	[simem:s6], [sflag:s4] =	dma.local [hbm:s3], $0xF7A  }
0x26: {  	[smem:$0x3F9B] =	sst s1;
	(tag) =	ssettag s2;
	_ =	strace s9  }
0x27: {  	s1 =	sld [smem:$0x3FAB]  }
0x28: {  	s2 =	sld [smem:$0x3FAC]  }
0x29: {  	s4 =	sld [smem:$0x3FAE]  }
0x2a: {  	p0 =	seq.s32 s5, $0x0;
	s5 =	sld [smem:$0x3FAF]  }
0x2b: {  	s6 =	sld [smem:$0x3FB0]  }
0x2c: {  	s7 =	sld [smem:$0x3FB1]  }
0x2d: {  	s3 =	simm.s32 $0x108;
	s8 =	sld [smem:$0x3FB2]  }
0x2e: {  	s3 =	simm.s32 @!p0 $0x1082;
	s9 =	sld [smem:$0x3FB3]  }
0x2f: {  	lr =	sadd.s32 s0, s3;
	s0 =	sld [smem:$0x3FAA]  }
0x30: {  	s3 =	sld [smem:$0x3FAD]  }
0x31: {  	[smem:$0x3FB6] =	sst s10  }
0x32: {  	s10 =	sld [smem:$0x3FB4];
	_ =	sdelay $0x3  }
0x33: {  	p0 =	seq.s32 s10, $0x1;
	s10 =	sld [smem:$0x3FB6];
	_ =	sdelay $0x3  }
0x34: {  	[smem:$0x3FB6] =	sst s10  }
0x35: {  	s10 =	sld [smem:$0x3FB5];
	_ =	sdelay $0x3  }
0x36: {  	p1 =	seq.s32 s10, $0x1;
	s10 =	sld [smem:$0x3FB6];
	_ =	sdelay $0x3  }
0x37: {  	[smem:$0x3FB6] =	sst s10  }
0x38: {  	s10 =	sld [smem:$0x3FB7]  }
0x39: {  	_ = 	snop;
	(pc) =	sbr.ind lr, $3  }
0x3a: {  	_ = 	snop  }
0x3b: {  	_ = 	snop  }
0x3c: {  	p2 =	seq.s32 s10, $0x1;
	s10 =	sld [smem:$0x3FB6]  }
0x3d: {  	_ =	shalt  }
0x3e: {  	_ =	shalt  }
0x3f: {  	_ =	shalt  }
0x40: {  	_ =	shalt  }
0x41: {  	_ =	shalt  }
0x42: {  	_ =	shalt  }
0x43: {  	_ =	shalt  }
0x44: {  	_ =	shalt  }
0x45: {  	_ =	shalt  }
0x46: {  	_ =	shalt  }
0x47: {  	_ =	shalt  }
0x48: {  	_ =	shalt  }
0x49: {  	_ =	shalt  }
0x4a: {  	_ =	shalt  }
0x4b: {  	_ =	shalt  }
0x4c: {  	_ =	shalt  }
0x4d: {  	_ =	shalt  }
0x4e: {  	_ =	shalt  }
0x4f: {  	_ =	shalt  }
0x50: {  	_ =	shalt  }
0x51: {  	_ =	shalt  }
0x52: {  	_ =	shalt  }
0x53: {  	_ =	shalt  }
0x54: {  	_ =	shalt  }
0x55: {  	_ =	shalt  }
0x56: {  	_ =	shalt  }
0x57: {  	_ =	shalt  }
0x58: {  	_ =	shalt  }
0x59: {  	_ =	shalt  }
0x5a: {  	_ =	shalt  }
0x5b: {  	_ =	shalt  }
0x5c: {  	_ =	shalt  }
0x5d: {  	_ =	shalt  }
0x5e: {  	_ =	shalt  }
0x5f: {  	_ =	shalt  }
0x60: {  	_ =	shalt  }
0x61: {  	_ =	shalt  }
0x62: {  	_ =	shalt  }
0x63: {  	_ =	shalt  }
0x64: {  	_ =	shalt  }
0x65: {  	_ =	shalt  }
0x66: {  	_ =	shalt  }
0x67: {  	_ =	shalt  }
0x68: {  	_ =	shalt  }
0x69: {  	_ =	shalt  }
0x6a: {  	_ =	shalt  }
0x6b: {  	_ =	shalt  }
0x6c: {  	_ =	shalt  }
0x6d: {  	_ =	shalt  }
0x6e: {  	_ =	shalt  }
0x6f: {  	_ =	shalt  }
0x70: {  	_ =	shalt  }
0x71: {  	_ =	shalt  }
0x72: {  	_ =	shalt  }
0x73: {  	_ =	shalt  }
0x74: {  	_ =	shalt  }
0x75: {  	_ =	shalt  }
0x76: {  	_ =	shalt  }
0x77: {  	_ =	shalt  }
0x78: {  	_ =	shalt  }
0x79: {  	_ =	shalt  }
0x7a: {  	_ =	shalt  }
0x7b: {  	_ =	shalt  }
0x7c: {  	_ =	shalt  }
0x7d: {  	_ =	shalt  }
0x7e: {  	_ =	shalt  }
0x7f: {  	_ =	shalt  }
0x80: {  	_ =	shalt  }
0x81: {  	_ =	shalt  }
0x82: {  	_ =	shalt  }
0x83: {  	_ =	shalt  }
0x84: {  	_ =	shalt  }
0x85: {  	_ =	shalt  }
0x86: {  	_ =	shalt  }
0x87: {  	_ =	shalt  }
.Lfunc_end0:
.L_simem_size_0:
called_computation_lowered:
.L_overlay_start_0:
0x88: {  	s2 =	sld [smem:$0x3FD9]  }
0x89: {  	s3 =	sld [smem:$0x3FFE];
	_ =	sdelay $0x1  }
0x8a: {  	s1 =	srdreg.scid  }
0x8b: {  	s0 =	sand.u32 $0x1, s1  }
0x8c: {  	s17 =	sshll.u32 s0, $0xA;
	s2 =	sadd.s32 s3, s2  }
0x8d: {  	s2 =	sadd.s32 s2, s17  }
0x8e: {  	[smem:$0x3FC2] =	sst s2  }
0x8f: {  	_ = 	snop  }
0x90: {  	s2 =	sld [smem:$0x3FD0];
	(tm) =	ssettm $0x1  }
0x91: {  	s18 =	sld [smem:$0x3FFB];
	_ =	sdelay $0x3  }
0x92: {  	_ =	strace s18  }
0x93: {  	s3 =	sld [smem:$0x3FFC];
	_ =	sdelay $0x3  }
0x94: {  	_ =	strace s3  }
0x95: {  	s3 =	sld [smem:$0x3FFD];
	_ =	sdelay $0x3  }
0x96: {  	_ =	strace s3  }
0x97: {  	_ =	strace $0x8FFFFFFF  }
0x98: {  	s19 =	sld [smem:$0x3FDB];
	_ =	sdelay $0x1  }
0x99: {  	s4 =	simm.s32 $_scs_section_size  }
0x9a: {  	s5 =	simm.s32 $_size__tile_overlayer_lowered;
	s6 =	simm.s32 $_tile_overlayer_lowered  }
0x9b: {  	s22 =	simm.s32 $0x1BFF;
	s21 =	sshll.u32 s6, $0x1;
	s3 =	sadd.s32 s4, s19  }
0x9c: {  	s7 =	simm.s32 $0x0;
	s20 =	sshll.u32 s5, $0x1;
	s5 =	sadd.s32 s21, s3  }
0x9d: {  	[timem:s7], [sflag:s22] =	dma.local [hbm:s5], s20  }
0x9e: {  	_ =	swait.ge [sflag:s22], s20  }
0x9f: {  	s4 =	ssub.s32 $0x0, s20;
	[sflag:s22] =	ssyncset.done $0x0  }
0xa0: {  	[sflag:s22] =	ssyncadd.s32 s4;
	_ =	sdelay $0x1  }
0xa1: {  	s23 =	simm.s32 $0x1B8B  }
0xa2: {  	_ =	swait.ge [sflag:s23], $0x1  }
0xa3: {  	[sflag:s23] =	ssyncset.done $0x0  }
0xa4: {  	s25 =	simm.s32 $0x1B8E;
	s24 =	sld [smem:$0x3FFE];
	[sflag:s23] =	ssyncadd.s32 $0xFFFFFFFF  }
0xa5: {  	s26 =	simm.s32 $execute0_lowered;
	[smem:$0x3FD2] =	sst s25  }
0xa6: {  	s5 =	sshll.u32 s26, $0x1;
	_ =	strace $0x80000046;
	[dreg:$0x1] =	wrdreg $0xFFFFFFFF  }
0xa7: {  	s28 =	simm.s32 $_size_execute0_lowered;
	s3 =	sadd.s32 s3, s5;
	[dreg:$0x0] =	wrdreg $0x0  }
0xa8: {  	s5 =	sshll.u32 s28, $0x1;
	[dreg:$0x2] =	wrdreg s3  }
0xa9: {  	[dreg:$0x3] =	wrdreg s5  }
0xaa: {  	[dreg:$0x4] =	wrdreg $0xC0  }
0xab: {  	_ =	task [dreg:s7], $0x5FFFF  }
0xac: {  	[dreg:$0x1] =	wrdreg $0xFFFFFFFF  }
0xad: {  	[dreg:$0x0] =	wrdreg $0x60  }
0xae: {  	[dreg:$0x2] =	wrdreg s24  }
0xaf: {  	[dreg:$0x3] =	wrdreg s2  }
0xb0: {  	[dreg:$0x4] =	wrdreg $0x54000  }
0xb1: {  	[dreg:$0x5] =	wrdreg $0x9  }
0xb2: {  	_ =	task.clear_ibuf [dreg:s7], $0x6FFFF;
	_ =	strace $0x90000046  }
0xb3: {  	s29 =	simm.s32 $0x9;
	_ =	strace $0x80000048  }
0xb4: {  	_ =	swait.ge [sflag:s29], $0x1  }
0xb5: {  	[sflag:s29] =	ssyncadd.s32 $0xFFFFFFFF  }
0xb6: {  	_ =	strace $0x90000048  }
0xb7: {  	_ =	sfence  }
0xb8: {  	s30 =	sld [smem:$0x0];
	_ =	sdelay $0x2  }
0xb9: {  	s31 =	sshll.u32 s1, $0xD;
	s1 =	sshrl.u32 s1, $0x2  }
0xba: {  	s3 =	sand.u32 $0x4000, s31;
	s1 =	sadd.s32 s1, s30  }
0xbb: {  	s0 =	sor.u32 s3, s0;
	s1 =	sshll.u32 s1, $0x11  }
0xbc: {  	s0 =	sor.u32 s1, s0  }
0xbd: {  	s0 =	sadd.s32 $0x8F2B, s0  }
0xbe: {  	[sflag:s0] =	ssyncadd.remote.s32 $0x1  }
0xbf: {  	_ =	sfence.sel $0xFFFF  }
0xc0: {  	[dreg:$0x0] =	wrdreg $0xFFFFFFFF;
	(pc) =	sbr.abs _section_cstart, $3  }
0xc1: {  	[dreg:$0x1] =	wrdreg $0xFFFFFFFF  }
0xc2: {  	_ =	task.clear_ibuf [dreg:s7], $0x2FFFF;
	_ =	strace $0x9FFFFFFF  }
0xc3: {  	(tm) =	ssettm $0x7FFFFFFF  }
tec
execute0_lowered:
.L_overlay_start_1:
0x0: {  	(tag) =	ssettag $0x1  }
0x1: {  	s4 =	rddreg [dreg:$0x0]  }
0x2: {  	s0 =	srdreg.scid;
	s6 =	rddreg [dreg:$0x1]  }
0x3: {  	s8 =	stileid.u32;
	s1 =	rddreg [dreg:$0x2];
	s2 =	simm.s32 $0x0  }
0x4: {  	s12 =	simm.s32 $0x1;
	s13 =	simm.s32 $0x0;
	s5 =	sand.u32 $0x1, s0  }
0x5: {  	[smem:$0x7FF] =	sst s2;
	p0 =	sne.s32 s8, $0x0;
	s0 =	sshll.u32 s5, $0x4  }
0x6: {  	s9 =	ssub.s32 $0x2, s5;
	s11 =	smul.u32 $0x2800, s5;
	s3 =	sor.u32 s8, s0  }
0x7: {  	s0 =	rddreg [dreg:$0x3];
	_ =	strace $0x80000047;
	s10 =	sshrl.u32 s9, $0x1  }
0x8: {  	s8 =	simm.s32 $0x2;
	s3 =	smul.u32 $0xA00, s3;
	s9 =	ssub.s32 s9, s10  }
0x9: {  	s6 =	sadd.s32 s6, s11;
	s10 =	sshrl.u32 @!p0 s1, $0x3;
	s11 =	simm.s32 $0x80  }
0xa: {  	s7 =	sadd.s32 s3, s4;
	s3 =	sadd.s32 $0x16000, s4;
	s4 =	sadd.s32 $0x15E00, s4  }
0xb: {  	s5 =	sadd.s32 $0x1E00, s7;
	s7 =	smax.u32 s9, $0x1;
	s9 =	simm.s32 $0x5000  }
.LBB2_1:
0xc: {  	[tilespmem:s2], [sflag:$0x2] =	stream.linear.gather [hbm4b:s5+s2], $0x5000, $0x38;
	[tilespmem:$0x6800] =	vst v63  }
0xd: {  	_ =	swait.ge [sflag:s8], $0x5000  }
0xe: {  	[sflag:s8] =	ssyncset.done $0x0  }
0xf: {  	[sflag:s8] =	ssyncadd.s32 $0xFFFFB000  }
0x10: {  	[tilespmem:s9], [sflag:$0x2] =	stream.linear.gather [hbm4b:s4+s2], $0x400, $0x38;
	[tilespmem:$0x6800] =	vst v63  }
0x11: {  	_ =	swait.ge [sflag:s8], $0x400  }
0x12: {  	[sflag:s8] =	ssyncset.done $0x0  }
0x13: {  	s14 =	simm.s32 @!p0 $0x1C02;
	[sflag:s8] =	ssyncadd.s32 $0xFFFFFC00  }
0x14: {  	[spmem:s10], [sflag:s14] =	dma.local @!p0 [hbm:s3], $0x2800  }
0x15: {  	s14 =	simm.s32 @!p0 $0x2  }
0x16: {  	_ =	swait.ge @!p0 [sflag:s14], $0x2800  }
0x17: {  	[sflag:s14] =	ssyncset.done @!p0 $0x0  }
0x18: {  	[sflag:s14] =	ssyncadd.s32 @!p0 $0xFFFFD800  }
0x19: {  	s14 =	simm.s32 $0x200;
	[bflag:$0x0] =	sbarrier.arrive $0xFFFF  }
.LBB2_2:
0x1a: {  	p1 =	sne.s32 s14, $0x13E00  }
.Ltmp0:
0x1b: {  	_ = 	snop;
	(pc) =	sbr.rel @p1 .LBB2_2-.Ltmp0, $3  }
0x1c: {  	_ =	sdelay $0x1  }
0x1d: {  	s15 =	sshra.s32 s14, $0x2;
	s14 =	sadd.s32 $0x400, s14  }
0x1e: {  	[spmem:s1] =	stream.indirect.scatter.add.f32 [tilespmem:s9], [sflag:$0x1], $0x8, s15, s11, $0xb8;
	[tilespmem:$0x6800] =	vst v63  }
0x1f: {  	_ =	swait.ge [sflag:s12], $0x400  }
0x20: {  	s14 =	simm.s32 $0x4F;
	[sflag:s12] =	ssyncset.done $0x0  }
.LBB2_4:
0x21: {  	p1 =	sne.s32 s14, $0x1;
	s14 =	sadd.s32 $0xFFFFFFFF, s14;
	[sflag:s12] =	ssyncadd.s32 $0xFFFFFC00  }
.Ltmp1:
0x22: {  	(pc) =	sbr.rel @p1 .LBB2_4-.Ltmp1, $3  }
0x23: {  	_ =	sdelay $0x1  }
0x24: {  	_ =	swait.ge [sflag:s12], $0x400  }
0x25: {  	[sflag:s12] =	ssyncset.done $0x0  }
0x26: {  	[sflag:s12] =	ssyncadd.s32 $0xFFFFFC00;
	s13 =	sadd.s32 $0x1, s13  }
0x27: {  	s14 =	simm.s32 @!p0 $0x1C02;
	[bflag:$0x0] =	sbarrier.arrive $0xFFFF;
	p1 =	sne.s32 s13, s7  }
0x28: {  	[hbm:s6], [sflag:s14] =	dma.local @!p0 [spmem:s10], $0x2800  }
.Ltmp2:
0x29: {  	_ = 	snop;
	(pc) =	sbr.rel @p1 .LBB2_1-.Ltmp2, $4  }
0x2a: {  	s14 =	simm.s32 @!p0 $0x2  }
0x2b: {  	_ =	swait.ge @!p0 [sflag:s14], $0x2800  }
0x2c: {  	[sflag:s14] =	ssyncset.done @!p0 $0x0  }
0x2d: {  	[sflag:s14] =	ssyncadd.s32 @!p0 $0xFFFFD800  }
0x2e: {  	_ =	sfence.sel $0x180000  }
0x2f: {  	[bflag:$0x0] =	sbarrier.arrive $0xFFFF  }
0x30: {  	_ =	strace $0x90000047  }
0x31: {  	s0 =	sadd.s32 @!p0 $0x100000, s0;
	[bflag:$0x2] =	sbarrier.arrive $0xFFFF  }
0x32: {  	[sflag:s0] =	ssyncadd.tile.s32 @!p0 $0x1;
	_ =	shalt  }
.Lfunc_end2:
_tile_overlayer_lowered:
.L_overlay_start_2:
0x33: {  	(tag) =	ssettag $0x2  }
0x34: {  	s0 =	rddreg [dreg:$0x0];
	s2 =	stileid.u32  }
0x35: {  	s1 =	rddreg [dreg:$0x1];
	p0 =	sne.s32 s2, $0x0  }
0x36: {  	s3 =	rddreg [dreg:$0x2];
	[bflag:$0x3] =	sbarrier.arrive $0xFFFF;
	s2 =	simm.s32 @!p0 $0x1C02  }
0x37: {  	[timem:s3], [sflag:s2] =	dma.local @!p0 [hbm:s0], s1  }
0x38: {  	s0 =	simm.s32 @!p0 $0x2  }
0x39: {  	_ =	swait.ge @!p0 [sflag:s0], s1  }
0x3a: {  	s1 =	ssub.s32 @!p0 $0x0, s1;
	[sflag:s0] =	ssyncset.done @!p0 $0x0  }
0x3b: {  	[sflag:s0] =	ssyncadd.s32 @!p0 s1  }
0x3c: {  	[bflag:$0x3] =	sbarrier.arrive $0xFFFF  }
0x3d: {  	_ =	shalt  }

</sc_bundles>
